<compile_context>
chip_gen: v7x
topology: tpu7x:2x2x1
jax: 0.10.2.dev20260603
libtpu: 0.0.44.dev20260713+nightly
codegen_flags: <defaults>
</compile_context>

<pallas_src>
import jax
import jax.numpy as jnp
from jax.experimental import pallas as pl

B, N, T = 1024, 100, 100
S = T // 2
E = 128
NE = 512
C1 = 64
DH = 256
BN = B * N

TOK = 512
GRID = BN // TOK
SL = S * TOK


def _dot(a, b):
    return jax.lax.dot_general(a.astype(jnp.bfloat16), b.astype(jnp.bfloat16),
                               (((1,), (0,)), ((), ())),
                               preferred_element_type=jnp.float32)


def _dot_exact(a, b):
    return jax.lax.dot_general(a, b, (((1,), (0,)), ((), ())),
                               precision=jax.lax.Precision.HIGHEST,
                               preferred_element_type=jnp.float32)


def _bf(a):
    return a.astype(jnp.bfloat16).astype(jnp.float32)


def _vq_kernel(x_ref, w1c_ref, b1_ref, w2cat_ref, b2_ref, latw_ref, latb_ref,
               cbt_ref, cb_ref, d1_ref, db1_ref, d2_ref, db2_ref, d3_ref, db3_ref,
               xhat_ref, z_ref, zq_ref, idx_ref, acc_ref):
    xb = x_ref[...]
    zpad2 = jnp.zeros((TOK, 2), jnp.float32)
    xt = jnp.concatenate([zpad2, xb, zpad2, zpad2], axis=1).T
    xt16 = xt.astype(jnp.bfloat16)
    w1c = w1c_ref[...].astype(jnp.bfloat16)
    b1c = b1_ref[...]
    pieces = []
    for s in range(S):
        pieces.append(jax.lax.dot_general(
            w1c, xt16[2 * s:2 * s + 8], (((1,), (0,)), ((), ())),
            preferred_element_type=jnp.float32))
    h1 = jnp.maximum(jnp.concatenate(pieces, axis=1) + b1c, 0.0)
    h1b = h1.astype(jnp.bfloat16)
    zlane = jnp.zeros((C1, TOK), jnp.bfloat16)
    hm = jnp.concatenate([zlane, h1b[:, :SL - TOK]], axis=1)
    hp = jnp.concatenate([h1b[:, TOK:], zlane], axis=1)
    h6 = jnp.concatenate([hm, h1b, hp], axis=0)
    h2 = jax.lax.dot_general(w2cat_ref[...].astype(jnp.bfloat16), h6,
                             (((1,), (0,)), ((), ())),
                             preferred_element_type=jnp.float32)
    h2 = jnp.maximum(h2 + b2_ref[...], 0.0)
    slabs = [h2[:, s * TOK:(s + 1) * TOK] for s in range(S)]
    while len(slabs) > 1:
        nxt = [slabs[i] + slabs[i + 1] for i in range(0, len(slabs) - 1, 2)]
        if len(slabs) % 2:
            nxt.append(slabs[-1])
        slabs = nxt
    pooled = (slabs[0] * (1.0 / S)).T
    z = _dot(pooled, latw_ref[...]) + latb_ref[...]
    z_ref[...] = z
    cbt = cbt_ref[...]
    c2 = jnp.sum(cbt * cbt, axis=0, keepdims=True)
    scores = c2 - 2.0 * _dot(z, cbt)
    ids = jax.lax.broadcasted_iota(jnp.int32, (TOK, NE), 1)
    m = jnp.min(scores, axis=1, keepdims=True)
    idx = jnp.min(jnp.where(scores == m, ids, NE), axis=1)
    idx_ref[...] = idx[:, None]
    onehot = (ids == idx[:, None]).astype(jnp.float32)
    zq_g = _dot_exact(onehot, cb_ref[...])
    zq = z + (zq_g - z)
    zq_ref[...] = zq
    dzq = zq_g - z
    vq_part = jnp.sum(dzq * dzq)
    h = jnp.maximum(_dot(zq, d1_ref[...]) + db1_ref[...], 0.0)
    h = jnp.maximum(_dot(h, d2_ref[...]) + db2_ref[...], 0.0)
    xh = _dot(h, d3_ref[...]) + db3_ref[...]
    xhat_ref[...] = xh
    dx = xh - xb
    recon_part = jnp.sum(dx * dx)
    lane = jax.lax.broadcasted_iota(jnp.int32, (1, E), 1)
    vec = jnp.where(lane == 0, recon_part, 0.0) + jnp.where(lane == 1, vq_part, 0.0)

    @pl.when(pl.program_id(0) == 0)
    def _():
        acc_ref[...] = jnp.zeros_like(acc_ref)

    acc_ref[...] += vec


def kernel(x, traj_mask, instance_mask, conv1_w, conv1_b, conv2_w, conv2_b,
           lat_w, lat_b, dec1_w, dec1_b, dec2_w, dec2_b, dec3_w, dec3_b, codebook):
    xf = x.reshape(BN, T)
    w1c = jnp.pad(conv1_w.transpose(0, 2, 1).reshape(C1, 6), ((0, 0), (0, 2)))
    w2cat = conv2_w.transpose(0, 2, 1).reshape(C1, 3 * C1)
    wspec = lambda r, c: pl.BlockSpec((r, c), lambda i: (0, 0))
    tokspec = lambda cols: pl.BlockSpec((TOK, cols), lambda i: (i, 0))
    out = pl.pallas_call(
        _vq_kernel,
        grid=(GRID,),
        in_specs=[
            tokspec(T),
            wspec(C1, 8), wspec(C1, 1),
            wspec(C1, 3 * C1), wspec(C1, 1),
            wspec(C1, E), wspec(1, E),
            wspec(E, NE), wspec(NE, E),
            wspec(E, DH), wspec(1, DH),
            wspec(DH, DH), wspec(1, DH),
            wspec(DH, T), wspec(1, T),
        ],
        out_specs=[
            tokspec(T),
            tokspec(E),
            tokspec(E),
            pl.BlockSpec((TOK, 1), lambda i: (i, 0)),
            pl.BlockSpec((1, E), lambda i: (0, 0)),
        ],
        out_shape=[
            jax.ShapeDtypeStruct((BN, T), jnp.float32),
            jax.ShapeDtypeStruct((BN, E), jnp.float32),
            jax.ShapeDtypeStruct((BN, E), jnp.float32),
            jax.ShapeDtypeStruct((BN, 1), jnp.int32),
            jax.ShapeDtypeStruct((1, E), jnp.float32),
        ],
    )(xf, w1c, conv1_b.reshape(C1, 1), w2cat, conv2_b.reshape(C1, 1),
      lat_w.T, lat_b.reshape(1, E), codebook.T, codebook,
      dec1_w.T, dec1_b.reshape(1, DH), dec2_w.T, dec2_b.reshape(1, DH),
      dec3_w.T, dec3_b.reshape(1, T))
    xhat_f, z_f, zq_f, idx_f, acc = out
    x_hat = xhat_f.reshape(B, N, T)
    recon_loss = acc[0, 0] / jnp.float32(BN * T)
    vq_reduced = (1.25 / E) * acc[0, 1] / jnp.float32(BN)
    indices = idx_f.reshape(B, N, 1)
    z = z_f.reshape(B, N, E)
    z_q = zq_f.reshape(B, N, E)
    return (x_hat, recon_loss, vq_reduced, indices, z, z_q)

# --- scband reference (transcript-rebuilt; emitter-appended) ---
"""Pipeline reference for scband-vqvae-20315195310125 (READ-ONLY COPY).

The authoritative reference and input builder live on the scoring server;
editing this copy changes nothing except your own understanding.
"""

import jax, jax.numpy as jnp
import numpy as np

B, N, TRAJ = 1024, 100, 100
E_DIM, N_E, BETA = 128, 512, 0.25
ENC_H, DEC_H = 64, 256


def setup_inputs(seed: int = 0) -> dict:
    key = jax.random.key(seed)
    ks = jax.random.split(key, 16)
    inp = {}
    inp['x'] = jax.random.normal(ks[0], (B, N, TRAJ), dtype=jnp.float32)
    inp['traj_mask'] = jnp.ones((B, N, TRAJ), dtype=jnp.float32)
    inp['instance_mask'] = jnp.ones((B, N), dtype=jnp.float32)
    # encoder params
    inp['conv1_w'] = jax.random.normal(ks[1], (ENC_H, 2, 3), dtype=jnp.float32) * 0.1
    inp['conv1_b'] = jnp.zeros((ENC_H,), dtype=jnp.float32)
    inp['conv2_w'] = jax.random.normal(ks[2], (ENC_H, ENC_H, 3), dtype=jnp.float32) * 0.05
    inp['conv2_b'] = jnp.zeros((ENC_H,), dtype=jnp.float32)
    inp['lat_w'] = jax.random.normal(ks[3], (E_DIM, ENC_H), dtype=jnp.float32) * 0.1
    inp['lat_b'] = jnp.zeros((E_DIM,), dtype=jnp.float32)
    # decoder params
    inp['dec1_w'] = jax.random.normal(ks[4], (DEC_H, E_DIM), dtype=jnp.float32) * 0.05
    inp['dec1_b'] = jnp.zeros((DEC_H,), dtype=jnp.float32)
    inp['dec2_w'] = jax.random.normal(ks[5], (DEC_H, DEC_H), dtype=jnp.float32) * 0.05
    inp['dec2_b'] = jnp.zeros((DEC_H,), dtype=jnp.float32)
    inp['dec3_w'] = jax.random.normal(ks[6], (TRAJ, DEC_H), dtype=jnp.float32) * 0.05
    inp['dec3_b'] = jnp.zeros((TRAJ,), dtype=jnp.float32)
    # codebook (nbooks=1 -> single book of n_e x e_dim)
    inp['codebook'] = jax.random.uniform(ks[7], (N_E, E_DIM), dtype=jnp.float32, minval=-1.0 / N_E, maxval=1.0 / N_E)
    return inp


def _conv1d(h, w, b):
    y = jax.lax.conv_general_dilated(h, w, window_strides=(1,), padding=((1, 1),), dimension_numbers=('NCH', 'OIH', 'NCH'))
    return y + b[None, :, None]


def reference(x, traj_mask, instance_mask, conv1_w, conv1_b, conv2_w, conv2_b, lat_w, lat_b, dec1_w, dec1_b, dec2_w, dec2_b, dec3_w, dec3_b, codebook):
    b, n, t = x.shape
    num_steps = t // 2
    # mask input
    w = traj_mask * instance_mask[..., None]
    x_in = x * w
    # encoder
    h = x_in.reshape(b * n, num_steps, 2).transpose(0, 2, 1)  # (BN, 2, steps)
    h = jax.nn.relu(_conv1d(h, conv1_w, conv1_b))
    h = jax.nn.relu(_conv1d(h, conv2_w, conv2_b))
    h = h.mean(axis=-1)  # (BN, hidden)
    z = (h @ lat_w.T + lat_b).reshape(b, n, -1)
    z = z * instance_mask[..., None]
    # vector quantizer (nbooks=1)
    zf = z.reshape(-1, z.shape[-1])
    d = jnp.sum(zf ** 2, axis=1, keepdims=True) + jnp.sum(codebook ** 2, axis=1)[None, :] - 2.0 * (zf @ codebook.T)
    idx = jnp.argmin(d, axis=1)
    z_q = jnp.take(codebook, idx, axis=0).reshape(b, n, -1)
    vq_loss = BETA * jnp.mean((jax.lax.stop_gradient(z_q) - z) ** 2, axis=-1) + jnp.mean((z_q - jax.lax.stop_gradient(z)) ** 2, axis=-1)  # (B, N)
    z_q = z + jax.lax.stop_gradient(z_q - z)  # straight-through (quant_prop=1.0)
    indices = idx.reshape(b, n, 1)
    # apply instance mask to vq outputs
    valid = instance_mask
    denom = jnp.maximum(valid.sum(), 1.0)
    vq_reduced = (vq_loss * valid).sum() / denom
    vb = (instance_mask > 0)[..., None]
    indices = jnp.where(jnp.broadcast_to(vb, indices.shape), indices, jnp.full_like(indices, -1))
    z_q = z_q * instance_mask[..., None]
    # decoder
    hq = z_q.reshape(b * n, -1)
    hq = jax.nn.relu(hq @ dec1_w.T + dec1_b)
    hq = jax.nn.relu(hq @ dec2_w.T + dec2_b)
    x_hat = (hq @ dec3_w.T + dec3_b).reshape(b, n, t)
    # recon loss
    recon_w = instance_mask[..., None] * traj_mask
    diff = (x_hat - x) ** 2
    recon_loss = (diff * recon_w).sum() / jnp.maximum(recon_w.sum(), 1.0)
    return (x_hat, recon_loss, vq_reduced, indices, z, z_q)

if __name__ == "__main__":
    import jax
    _d = setup_inputs()
    print(jax.jit(kernel)(*tuple(_d.values())))

</pallas_src>

<mosaic_0001>
module attributes {stable_mosaic.version = 14 : i64} {
  func.func @_vq_kernel(%arg0: i32, %arg1: memref<512x100xf32, #tpu.memory_space<vmem>>, %arg2: memref<64x8xf32, #tpu.memory_space<vmem>>, %arg3: memref<64x1xf32, #tpu.memory_space<vmem>>, %arg4: memref<64x192xf32, #tpu.memory_space<vmem>>, %arg5: memref<64x1xf32, #tpu.memory_space<vmem>>, %arg6: memref<64x128xf32, #tpu.memory_space<vmem>>, %arg7: memref<1x128xf32, #tpu.memory_space<vmem>>, %arg8: memref<128x512xf32, #tpu.memory_space<vmem>>, %arg9: memref<512x128xf32, #tpu.memory_space<vmem>>, %arg10: memref<128x256xf32, #tpu.memory_space<vmem>>, %arg11: memref<1x256xf32, #tpu.memory_space<vmem>>, %arg12: memref<256x256xf32, #tpu.memory_space<vmem>>, %arg13: memref<1x256xf32, #tpu.memory_space<vmem>>, %arg14: memref<256x100xf32, #tpu.memory_space<vmem>>, %arg15: memref<1x100xf32, #tpu.memory_space<vmem>>, %arg16: memref<512x100xf32, #tpu.memory_space<vmem>>, %arg17: memref<512x128xf32, #tpu.memory_space<vmem>>, %arg18: memref<512x128xf32, #tpu.memory_space<vmem>>, %arg19: memref<512x1xi32, #tpu.memory_space<vmem>>, %arg20: memref<1x128xf32, #tpu.memory_space<vmem>>) attributes {dimension_semantics = [#tpu.dimension_semantics<arbitrary>], iteration_bounds = array<i64: 200>, scalar_prefetch = 0 : i64, scratch_operands = 0 : i64, tpu.core_type = #tpu.core_type<tc>, window_params = [{transform_indices = @transform_0, window_bounds = array<i64: 512, 100>}, {pipeline_mode = #tpu.pipeline_mode<synchronous>, transform_indices = @transform_1, window_bounds = array<i64: 64, 8>}, {pipeline_mode = #tpu.pipeline_mode<synchronous>, transform_indices = @transform_2, window_bounds = array<i64: 64, 1>}, {pipeline_mode = #tpu.pipeline_mode<synchronous>, transform_indices = @transform_3, window_bounds = array<i64: 64, 192>}, {pipeline_mode = #tpu.pipeline_mode<synchronous>, transform_indices = @transform_4, window_bounds = array<i64: 64, 1>}, {pipeline_mode = #tpu.pipeline_mode<synchronous>, transform_indices = @transform_5, window_bounds = array<i64: 64, 128>}, {pipeline_mode = #tpu.pipeline_mode<synchronous>, transform_indices = @transform_6, window_bounds = array<i64: 1, 128>}, {pipeline_mode = #tpu.pipeline_mode<synchronous>, transform_indices = @transform_7, window_bounds = array<i64: 128, 512>}, {pipeline_mode = #tpu.pipeline_mode<synchronous>, transform_indices = @transform_8, window_bounds = array<i64: 512, 128>}, {pipeline_mode = #tpu.pipeline_mode<synchronous>, transform_indices = @transform_9, window_bounds = array<i64: 128, 256>}, {pipeline_mode = #tpu.pipeline_mode<synchronous>, transform_indices = @transform_10, window_bounds = array<i64: 1, 256>}, {pipeline_mode = #tpu.pipeline_mode<synchronous>, transform_indices = @transform_11, window_bounds = array<i64: 256, 256>}, {pipeline_mode = #tpu.pipeline_mode<synchronous>, transform_indices = @transform_12, window_bounds = array<i64: 1, 256>}, {pipeline_mode = #tpu.pipeline_mode<synchronous>, transform_indices = @transform_13, window_bounds = array<i64: 256, 100>}, {pipeline_mode = #tpu.pipeline_mode<synchronous>, transform_indices = @transform_14, window_bounds = array<i64: 1, 100>}, {transform_indices = @transform_15, window_bounds = array<i64: 512, 100>}, {transform_indices = @transform_16, window_bounds = array<i64: 512, 128>}, {transform_indices = @transform_17, window_bounds = array<i64: 512, 128>}, {transform_indices = @transform_18, window_bounds = array<i64: 512, 1>}, {pipeline_mode = #tpu.pipeline_mode<synchronous>, transform_indices = @transform_19, window_bounds = array<i64: 1, 128>}]} {
    %get3A = arith.constant 0 : index
    %get3A_0 = arith.constant 0 : index
    %get3A_1 = vector.load %arg1[%get3A, %get3A_0] : memref<512x100xf32, #tpu.memory_space<vmem>>, vector<512x100xf32>
    %broadcast_in_dim3A = arith.constant 0.000000e+00 : f32
    %broadcast_in_dim3A_2 = vector.broadcast %broadcast_in_dim3A : f32 to vector<512x2xf32>
    %concatenate3A = tpu.concatenate %broadcast_in_dim3A_2, %get3A_1, %broadcast_in_dim3A_2, %broadcast_in_dim3A_2 in 1 : vector<512x2xf32>, vector<512x100xf32>, vector<512x2xf32>, vector<512x2xf32> -> vector<512x106xf32>
    %transpose3A = tpu.transpose %concatenate3A, [1, 0] : vector<512x106xf32> -> vector<106x512xf32>
    %convert_element_type3A = arith.truncf %transpose3A : vector<106x512xf32> to vector<106x512xbf16>
    %get3A_3 = arith.constant 0 : index
    %get3A_4 = arith.constant 0 : index
    %get3A_5 = vector.load %arg2[%get3A_3, %get3A_4] : memref<64x8xf32, #tpu.memory_space<vmem>>, vector<64x8xf32>
    %convert_element_type3A_6 = arith.truncf %get3A_5 : vector<64x8xf32> to vector<64x8xbf16>
    %get3A_7 = arith.constant 0 : index
    %get3A_8 = arith.constant 0 : index
    %get3A_9 = vector.load %arg3[%get3A_7, %get3A_8] : memref<64x1xf32, #tpu.memory_space<vmem>>, vector<64x1xf32>
    %slice3A = vector.extract_strided_slice %convert_element_type3A {offsets = [0, 0], sizes = [8, 512], strides = [1, 1]} : vector<106x512xbf16> to vector<8x512xbf16>
    %dot_general3A = arith.constant dense<0.000000e+00> : vector<64x512xf32>
    %dot_general3A_10 = tpu.matmul %convert_element_type3A_6, %slice3A, %dot_general3A {dimension_numbers = #tpu.dot_dimension_numbers<[1], [0], [0], [1], [0, 0, 1, 1], [], []>, transpose_lhs_hint = false} : vector<64x8xbf16>, vector<8x512xbf16>, vector<64x512xf32> -> vector<64x512xf32>
    %slice3A_11 = vector.extract_strided_slice %convert_element_type3A {offsets = [2, 0], sizes = [8, 512], strides = [1, 1]} : vector<106x512xbf16> to vector<8x512xbf16>
    %dot_general3A_12 = arith.constant dense<0.000000e+00> : vector<64x512xf32>
    %dot_general3A_13 = tpu.matmul %convert_element_type3A_6, %slice3A_11, %dot_general3A_12 {dimension_numbers = #tpu.dot_dimension_numbers<[1], [0], [0], [1], [0, 0, 1, 1], [], []>, transpose_lhs_hint = false} : vector<64x8xbf16>, vector<8x512xbf16>, vector<64x512xf32> -> vector<64x512xf32>
    %slice3A_14 = vector.extract_strided_slice %convert_element_type3A {offsets = [4, 0], sizes = [8, 512], strides = [1, 1]} : vector<106x512xbf16> to vector<8x512xbf16>
    %dot_general3A_15 = arith.constant dense<0.000000e+00> : vector<64x512xf32>
    %dot_general3A_16 = tpu.matmul %convert_element_type3A_6, %slice3A_14, %dot_general3A_15 {dimension_numbers = #tpu.dot_dimension_numbers<[1], [0], [0], [1], [0, 0, 1, 1], [], []>, transpose_lhs_hint = false} : vector<64x8xbf16>, vector<8x512xbf16>, vector<64x512xf32> -> vector<64x512xf32>
    %slice3A_17 = vector.extract_strided_slice %convert_element_type3A {offsets = [6, 0], sizes = [8, 512], strides = [1, 1]} : vector<106x512xbf16> to vector<8x512xbf16>
    %dot_general3A_18 = arith.constant dense<0.000000e+00> : vector<64x512xf32>
    %dot_general3A_19 = tpu.matmul %convert_element_type3A_6, %slice3A_17, %dot_general3A_18 {dimension_numbers = #tpu.dot_dimension_numbers<[1], [0], [0], [1], [0, 0, 1, 1], [], []>, transpose_lhs_hint = false} : vector<64x8xbf16>, vector<8x512xbf16>, vector<64x512xf32> -> vector<64x512xf32>
    %slice3A_20 = vector.extract_strided_slice %convert_element_type3A {offsets = [8, 0], sizes = [8, 512], strides = [1, 1]} : vector<106x512xbf16> to vector<8x512xbf16>
    %dot_general3A_21 = arith.constant dense<0.000000e+00> : vector<64x512xf32>
    %dot_general3A_22 = tpu.matmul %convert_element_type3A_6, %slice3A_20, %dot_general3A_21 {dimension_numbers = #tpu.dot_dimension_numbers<[1], [0], [0], [1], [0, 0, 1, 1], [], []>, transpose_lhs_hint = false} : vector<64x8xbf16>, vector<8x512xbf16>, vector<64x512xf32> -> vector<64x512xf32>
    %slice3A_23 = vector.extract_strided_slice %convert_element_type3A {offsets = [10, 0], sizes = [8, 512], strides = [1, 1]} : vector<106x512xbf16> to vector<8x512xbf16>
    %dot_general3A_24 = arith.constant dense<0.000000e+00> : vector<64x512xf32>
    %dot_general3A_25 = tpu.matmul %convert_element_type3A_6, %slice3A_23, %dot_general3A_24 {dimension_numbers = #tpu.dot_dimension_numbers<[1], [0], [0], [1], [0, 0, 1, 1], [], []>, transpose_lhs_hint = false} : vector<64x8xbf16>, vector<8x512xbf16>, vector<64x512xf32> -> vector<64x512xf32>
    %slice3A_26 = vector.extract_strided_slice %convert_element_type3A {offsets = [12, 0], sizes = [8, 512], strides = [1, 1]} : vector<106x512xbf16> to vector<8x512xbf16>
    %dot_general3A_27 = arith.constant dense<0.000000e+00> : vector<64x512xf32>
    %dot_general3A_28 = tpu.matmul %convert_element_type3A_6, %slice3A_26, %dot_general3A_27 {dimension_numbers = #tpu.dot_dimension_numbers<[1], [0], [0], [1], [0, 0, 1, 1], [], []>, transpose_lhs_hint = false} : vector<64x8xbf16>, vector<8x512xbf16>, vector<64x512xf32> -> vector<64x512xf32>
    %slice3A_29 = vector.extract_strided_slice %convert_element_type3A {offsets = [14, 0], sizes = [8, 512], strides = [1, 1]} : vector<106x512xbf16> to vector<8x512xbf16>
    %dot_general3A_30 = arith.constant dense<0.000000e+00> : vector<64x512xf32>
    %dot_general3A_31 = tpu.matmul %convert_element_type3A_6, %slice3A_29, %dot_general3A_30 {dimension_numbers = #tpu.dot_dimension_numbers<[1], [0], [0], [1], [0, 0, 1, 1], [], []>, transpose_lhs_hint = false} : vector<64x8xbf16>, vector<8x512xbf16>, vector<64x512xf32> -> vector<64x512xf32>
    %slice3A_32 = vector.extract_strided_slice %convert_element_type3A {offsets = [16, 0], sizes = [8, 512], strides = [1, 1]} : vector<106x512xbf16> to vector<8x512xbf16>
    %dot_general3A_33 = arith.constant dense<0.000000e+00> : vector<64x512xf32>
    %dot_general3A_34 = tpu.matmul %convert_element_type3A_6, %slice3A_32, %dot_general3A_33 {dimension_numbers = #tpu.dot_dimension_numbers<[1], [0], [0], [1], [0, 0, 1, 1], [], []>, transpose_lhs_hint = false} : vector<64x8xbf16>, vector<8x512xbf16>, vector<64x512xf32> -> vector<64x512xf32>
    %slice3A_35 = vector.extract_strided_slice %convert_element_type3A {offsets = [18, 0], sizes = [8, 512], strides = [1, 1]} : vector<106x512xbf16> to vector<8x512xbf16>
    %dot_general3A_36 = arith.constant dense<0.000000e+00> : vector<64x512xf32>
    %dot_general3A_37 = tpu.matmul %convert_element_type3A_6, %slice3A_35, %dot_general3A_36 {dimension_numbers = #tpu.dot_dimension_numbers<[1], [0], [0], [1], [0, 0, 1, 1], [], []>, transpose_lhs_hint = false} : vector<64x8xbf16>, vector<8x512xbf16>, vector<64x512xf32> -> vector<64x512xf32>
    %slice3A_38 = vector.extract_strided_slice %convert_element_type3A {offsets = [20, 0], sizes = [8, 512], strides = [1, 1]} : vector<106x512xbf16> to vector<8x512xbf16>
    %dot_general3A_39 = arith.constant dense<0.000000e+00> : vector<64x512xf32>
    %dot_general3A_40 = tpu.matmul %convert_element_type3A_6, %slice3A_38, %dot_general3A_39 {dimension_numbers = #tpu.dot_dimension_numbers<[1], [0], [0], [1], [0, 0, 1, 1], [], []>, transpose_lhs_hint = false} : vector<64x8xbf16>, vector<8x512xbf16>, vector<64x512xf32> -> vector<64x512xf32>
    %slice3A_41 = vector.extract_strided_slice %convert_element_type3A {offsets = [22, 0], sizes = [8, 512], strides = [1, 1]} : vector<106x512xbf16> to vector<8x512xbf16>
    %dot_general3A_42 = arith.constant dense<0.000000e+00> : vector<64x512xf32>
    %dot_general3A_43 = tpu.matmul %convert_element_type3A_6, %slice3A_41, %dot_general3A_42 {dimension_numbers = #tpu.dot_dimension_numbers<[1], [0], [0], [1], [0, 0, 1, 1], [], []>, transpose_lhs_hint = false} : vector<64x8xbf16>, vector<8x512xbf16>, vector<64x512xf32> -> vector<64x512xf32>
    %slice3A_44 = vector.extract_strided_slice %convert_element_type3A {offsets = [24, 0], sizes = [8, 512], strides = [1, 1]} : vector<106x512xbf16> to vector<8x512xbf16>
    %dot_general3A_45 = arith.constant dense<0.000000e+00> : vector<64x512xf32>
    %dot_general3A_46 = tpu.matmul %convert_element_type3A_6, %slice3A_44, %dot_general3A_45 {dimension_numbers = #tpu.dot_dimension_numbers<[1], [0], [0], [1], [0, 0, 1, 1], [], []>, transpose_lhs_hint = false} : vector<64x8xbf16>, vector<8x512xbf16>, vector<64x512xf32> -> vector<64x512xf32>
    %slice3A_47 = vector.extract_strided_slice %convert_element_type3A {offsets = [26, 0], sizes = [8, 512], strides = [1, 1]} : vector<106x512xbf16> to vector<8x512xbf16>
    %dot_general3A_48 = arith.constant dense<0.000000e+00> : vector<64x512xf32>
    %dot_general3A_49 = tpu.matmul %convert_element_type3A_6, %slice3A_47, %dot_general3A_48 {dimension_numbers = #tpu.dot_dimension_numbers<[1], [0], [0], [1], [0, 0, 1, 1], [], []>, transpose_lhs_hint = false} : vector<64x8xbf16>, vector<8x512xbf16>, vector<64x512xf32> -> vector<64x512xf32>
    %slice3A_50 = vector.extract_strided_slice %convert_element_type3A {offsets = [28, 0], sizes = [8, 512], strides = [1, 1]} : vector<106x512xbf16> to vector<8x512xbf16>
    %dot_general3A_51 = arith.constant dense<0.000000e+00> : vector<64x512xf32>
    %dot_general3A_52 = tpu.matmul %convert_element_type3A_6, %slice3A_50, %dot_general3A_51 {dimension_numbers = #tpu.dot_dimension_numbers<[1], [0], [0], [1], [0, 0, 1, 1], [], []>, transpose_lhs_hint = false} : vector<64x8xbf16>, vector<8x512xbf16>, vector<64x512xf32> -> vector<64x512xf32>
    %slice3A_53 = vector.extract_strided_slice %convert_element_type3A {offsets = [30, 0], sizes = [8, 512], strides = [1, 1]} : vector<106x512xbf16> to vector<8x512xbf16>
    %dot_general3A_54 = arith.constant dense<0.000000e+00> : vector<64x512xf32>
    %dot_general3A_55 = tpu.matmul %convert_element_type3A_6, %slice3A_53, %dot_general3A_54 {dimension_numbers = #tpu.dot_dimension_numbers<[1], [0], [0], [1], [0, 0, 1, 1], [], []>, transpose_lhs_hint = false} : vector<64x8xbf16>, vector<8x512xbf16>, vector<64x512xf32> -> vector<64x512xf32>
    %slice3A_56 = vector.extract_strided_slice %convert_element_type3A {offsets = [32, 0], sizes = [8, 512], strides = [1, 1]} : vector<106x512xbf16> to vector<8x512xbf16>
    %dot_general3A_57 = arith.constant dense<0.000000e+00> : vector<64x512xf32>
    %dot_general3A_58 = tpu.matmul %convert_element_type3A_6, %slice3A_56, %dot_general3A_57 {dimension_numbers = #tpu.dot_dimension_numbers<[1], [0], [0], [1], [0, 0, 1, 1], [], []>, transpose_lhs_hint = false} : vector<64x8xbf16>, vector<8x512xbf16>, vector<64x512xf32> -> vector<64x512xf32>
    %slice3A_59 = vector.extract_strided_slice %convert_element_type3A {offsets = [34, 0], sizes = [8, 512], strides = [1, 1]} : vector<106x512xbf16> to vector<8x512xbf16>
    %dot_general3A_60 = arith.constant dense<0.000000e+00> : vector<64x512xf32>
    %dot_general3A_61 = tpu.matmul %convert_element_type3A_6, %slice3A_59, %dot_general3A_60 {dimension_numbers = #tpu.dot_dimension_numbers<[1], [0], [0], [1], [0, 0, 1, 1], [], []>, transpose_lhs_hint = false} : vector<64x8xbf16>, vector<8x512xbf16>, vector<64x512xf32> -> vector<64x512xf32>
    %slice3A_62 = vector.extract_strided_slice %convert_element_type3A {offsets = [36, 0], sizes = [8, 512], strides = [1, 1]} : vector<106x512xbf16> to vector<8x512xbf16>
    %dot_general3A_63 = arith.constant dense<0.000000e+00> : vector<64x512xf32>
    %dot_general3A_64 = tpu.matmul %convert_element_type3A_6, %slice3A_62, %dot_general3A_63 {dimension_numbers = #tpu.dot_dimension_numbers<[1], [0], [0], [1], [0, 0, 1, 1], [], []>, transpose_lhs_hint = false} : vector<64x8xbf16>, vector<8x512xbf16>, vector<64x512xf32> -> vector<64x512xf32>
    %slice3A_65 = vector.extract_strided_slice %convert_element_type3A {offsets = [38, 0], sizes = [8, 512], strides = [1, 1]} : vector<106x512xbf16> to vector<8x512xbf16>
    %dot_general3A_66 = arith.constant dense<0.000000e+00> : vector<64x512xf32>
    %dot_general3A_67 = tpu.matmul %convert_element_type3A_6, %slice3A_65, %dot_general3A_66 {dimension_numbers = #tpu.dot_dimension_numbers<[1], [0], [0], [1], [0, 0, 1, 1], [], []>, transpose_lhs_hint = false} : vector<64x8xbf16>, vector<8x512xbf16>, vector<64x512xf32> -> vector<64x512xf32>
    %slice3A_68 = vector.extract_strided_slice %convert_element_type3A {offsets = [40, 0], sizes = [8, 512], strides = [1, 1]} : vector<106x512xbf16> to vector<8x512xbf16>
    %dot_general3A_69 = arith.constant dense<0.000000e+00> : vector<64x512xf32>
    %dot_general3A_70 = tpu.matmul %convert_element_type3A_6, %slice3A_68, %dot_general3A_69 {dimension_numbers = #tpu.dot_dimension_numbers<[1], [0], [0], [1], [0, 0, 1, 1], [], []>, transpose_lhs_hint = false} : vector<64x8xbf16>, vector<8x512xbf16>, vector<64x512xf32> -> vector<64x512xf32>
    %slice3A_71 = vector.extract_strided_slice %convert_element_type3A {offsets = [42, 0], sizes = [8, 512], strides = [1, 1]} : vector<106x512xbf16> to vector<8x512xbf16>
    %dot_general3A_72 = arith.constant dense<0.000000e+00> : vector<64x512xf32>
    %dot_general3A_73 = tpu.matmul %convert_element_type3A_6, %slice3A_71, %dot_general3A_72 {dimension_numbers = #tpu.dot_dimension_numbers<[1], [0], [0], [1], [0, 0, 1, 1], [], []>, transpose_lhs_hint = false} : vector<64x8xbf16>, vector<8x512xbf16>, vector<64x512xf32> -> vector<64x512xf32>
    %slice3A_74 = vector.extract_strided_slice %convert_element_type3A {offsets = [44, 0], sizes = [8, 512], strides = [1, 1]} : vector<106x512xbf16> to vector<8x512xbf16>
    %dot_general3A_75 = arith.constant dense<0.000000e+00> : vector<64x512xf32>
    %dot_general3A_76 = tpu.matmul %convert_element_type3A_6, %slice3A_74, %dot_general3A_75 {dimension_numbers = #tpu.dot_dimension_numbers<[1], [0], [0], [1], [0, 0, 1, 1], [], []>, transpose_lhs_hint = false} : vector<64x8xbf16>, vector<8x512xbf16>, vector<64x512xf32> -> vector<64x512xf32>
    %slice3A_77 = vector.extract_strided_slice %convert_element_type3A {offsets = [46, 0], sizes = [8, 512], strides = [1, 1]} : vector<106x512xbf16> to vector<8x512xbf16>
    %dot_general3A_78 = arith.constant dense<0.000000e+00> : vector<64x512xf32>
    %dot_general3A_79 = tpu.matmul %convert_element_type3A_6, %slice3A_77, %dot_general3A_78 {dimension_numbers = #tpu.dot_dimension_numbers<[1], [0], [0], [1], [0, 0, 1, 1], [], []>, transpose_lhs_hint = false} : vector<64x8xbf16>, vector<8x512xbf16>, vector<64x512xf32> -> vector<64x512xf32>
    %slice3A_80 = vector.extract_strided_slice %convert_element_type3A {offsets = [48, 0], sizes = [8, 512], strides = [1, 1]} : vector<106x512xbf16> to vector<8x512xbf16>
    %dot_general3A_81 = arith.constant dense<0.000000e+00> : vector<64x512xf32>
    %dot_general3A_82 = tpu.matmul %convert_element_type3A_6, %slice3A_80, %dot_general3A_81 {dimension_numbers = #tpu.dot_dimension_numbers<[1], [0], [0], [1], [0, 0, 1, 1], [], []>, transpose_lhs_hint = false} : vector<64x8xbf16>, vector<8x512xbf16>, vector<64x512xf32> -> vector<64x512xf32>
    %slice3A_83 = vector.extract_strided_slice %convert_element_type3A {offsets = [50, 0], sizes = [8, 512], strides = [1, 1]} : vector<106x512xbf16> to vector<8x512xbf16>
    %dot_general3A_84 = arith.constant dense<0.000000e+00> : vector<64x512xf32>
    %dot_general3A_85 = tpu.matmul %convert_element_type3A_6, %slice3A_83, %dot_general3A_84 {dimension_numbers = #tpu.dot_dimension_numbers<[1], [0], [0], [1], [0, 0, 1, 1], [], []>, transpose_lhs_hint = false} : vector<64x8xbf16>, vector<8x512xbf16>, vector<64x512xf32> -> vector<64x512xf32>
    %slice3A_86 = vector.extract_strided_slice %convert_element_type3A {offsets = [52, 0], sizes = [8, 512], strides = [1, 1]} : vector<106x512xbf16> to vector<8x512xbf16>
    %dot_general3A_87 = arith.constant dense<0.000000e+00> : vector<64x512xf32>
    %dot_general3A_88 = tpu.matmul %convert_element_type3A_6, %slice3A_86, %dot_general3A_87 {dimension_numbers = #tpu.dot_dimension_numbers<[1], [0], [0], [1], [0, 0, 1, 1], [], []>, transpose_lhs_hint = false} : vector<64x8xbf16>, vector<8x512xbf16>, vector<64x512xf32> -> vector<64x512xf32>
    %slice3A_89 = vector.extract_strided_slice %convert_element_type3A {offsets = [54, 0], sizes = [8, 512], strides = [1, 1]} : vector<106x512xbf16> to vector<8x512xbf16>
    %dot_general3A_90 = arith.constant dense<0.000000e+00> : vector<64x512xf32>
    %dot_general3A_91 = tpu.matmul %convert_element_type3A_6, %slice3A_89, %dot_general3A_90 {dimension_numbers = #tpu.dot_dimension_numbers<[1], [0], [0], [1], [0, 0, 1, 1], [], []>, transpose_lhs_hint = false} : vector<64x8xbf16>, vector<8x512xbf16>, vector<64x512xf32> -> vector<64x512xf32>
    %slice3A_92 = vector.extract_strided_slice %convert_element_type3A {offsets = [56, 0], sizes = [8, 512], strides = [1, 1]} : vector<106x512xbf16> to vector<8x512xbf16>
    %dot_general3A_93 = arith.constant dense<0.000000e+00> : vector<64x512xf32>
    %dot_general3A_94 = tpu.matmul %convert_element_type3A_6, %slice3A_92, %dot_general3A_93 {dimension_numbers = #tpu.dot_dimension_numbers<[1], [0], [0], [1], [0, 0, 1, 1], [], []>, transpose_lhs_hint = false} : vector<64x8xbf16>, vector<8x512xbf16>, vector<64x512xf32> -> vector<64x512xf32>
    %slice3A_95 = vector.extract_strided_slice %convert_element_type3A {offsets = [58, 0], sizes = [8, 512], strides = [1, 1]} : vector<106x512xbf16> to vector<8x512xbf16>
    %dot_general3A_96 = arith.constant dense<0.000000e+00> : vector<64x512xf32>
    %dot_general3A_97 = tpu.matmul %convert_element_type3A_6, %slice3A_95, %dot_general3A_96 {dimension_numbers = #tpu.dot_dimension_numbers<[1], [0], [0], [1], [0, 0, 1, 1], [], []>, transpose_lhs_hint = false} : vector<64x8xbf16>, vector<8x512xbf16>, vector<64x512xf32> -> vector<64x512xf32>
    %slice3A_98 = vector.extract_strided_slice %convert_element_type3A {offsets = [60, 0], sizes = [8, 512], strides = [1, 1]} : vector<106x512xbf16> to vector<8x512xbf16>
    %dot_general3A_99 = arith.constant dense<0.000000e+00> : vector<64x512xf32>
    %dot_general3A_100 = tpu.matmul %convert_element_type3A_6, %slice3A_98, %dot_general3A_99 {dimension_numbers = #tpu.dot_dimension_numbers<[1], [0], [0], [1], [0, 0, 1, 1], [], []>, transpose_lhs_hint = false} : vector<64x8xbf16>, vector<8x512xbf16>, vector<64x512xf32> -> vector<64x512xf32>
    %slice3A_101 = vector.extract_strided_slice %convert_element_type3A {offsets = [62, 0], sizes = [8, 512], strides = [1, 1]} : vector<106x512xbf16> to vector<8x512xbf16>
    %dot_general3A_102 = arith.constant dense<0.000000e+00> : vector<64x512xf32>
    %dot_general3A_103 = tpu.matmul %convert_element_type3A_6, %slice3A_101, %dot_general3A_102 {dimension_numbers = #tpu.dot_dimension_numbers<[1], [0], [0], [1], [0, 0, 1, 1], [], []>, transpose_lhs_hint = false} : vector<64x8xbf16>, vector<8x512xbf16>, vector<64x512xf32> -> vector<64x512xf32>
    %slice3A_104 = vector.extract_strided_slice %convert_element_type3A {offsets = [64, 0], sizes = [8, 512], strides = [1, 1]} : vector<106x512xbf16> to vector<8x512xbf16>
    %dot_general3A_105 = arith.constant dense<0.000000e+00> : vector<64x512xf32>
    %dot_general3A_106 = tpu.matmul %convert_element_type3A_6, %slice3A_104, %dot_general3A_105 {dimension_numbers = #tpu.dot_dimension_numbers<[1], [0], [0], [1], [0, 0, 1, 1], [], []>, transpose_lhs_hint = false} : vector<64x8xbf16>, vector<8x512xbf16>, vector<64x512xf32> -> vector<64x512xf32>
    %slice3A_107 = vector.extract_strided_slice %convert_element_type3A {offsets = [66, 0], sizes = [8, 512], strides = [1, 1]} : vector<106x512xbf16> to vector<8x512xbf16>
    %dot_general3A_108 = arith.constant dense<0.000000e+00> : vector<64x512xf32>
    %dot_general3A_109 = tpu.matmul %convert_element_type3A_6, %slice3A_107, %dot_general3A_108 {dimension_numbers = #tpu.dot_dimension_numbers<[1], [0], [0], [1], [0, 0, 1, 1], [], []>, transpose_lhs_hint = false} : vector<64x8xbf16>, vector<8x512xbf16>, vector<64x512xf32> -> vector<64x512xf32>
    %slice3A_110 = vector.extract_strided_slice %convert_element_type3A {offsets = [68, 0], sizes = [8, 512], strides = [1, 1]} : vector<106x512xbf16> to vector<8x512xbf16>
    %dot_general3A_111 = arith.constant dense<0.000000e+00> : vector<64x512xf32>
    %dot_general3A_112 = tpu.matmul %convert_element_type3A_6, %slice3A_110, %dot_general3A_111 {dimension_numbers = #tpu.dot_dimension_numbers<[1], [0], [0], [1], [0, 0, 1, 1], [], []>, transpose_lhs_hint = false} : vector<64x8xbf16>, vector<8x512xbf16>, vector<64x512xf32> -> vector<64x512xf32>
    %slice3A_113 = vector.extract_strided_slice %convert_element_type3A {offsets = [70, 0], sizes = [8, 512], strides = [1, 1]} : vector<106x512xbf16> to vector<8x512xbf16>
    %dot_general3A_114 = arith.constant dense<0.000000e+00> : vector<64x512xf32>
    %dot_general3A_115 = tpu.matmul %convert_element_type3A_6, %slice3A_113, %dot_general3A_114 {dimension_numbers = #tpu.dot_dimension_numbers<[1], [0], [0], [1], [0, 0, 1, 1], [], []>, transpose_lhs_hint = false} : vector<64x8xbf16>, vector<8x512xbf16>, vector<64x512xf32> -> vector<64x512xf32>
    %slice3A_116 = vector.extract_strided_slice %convert_element_type3A {offsets = [72, 0], sizes = [8, 512], strides = [1, 1]} : vector<106x512xbf16> to vector<8x512xbf16>
    %dot_general3A_117 = arith.constant dense<0.000000e+00> : vector<64x512xf32>
    %dot_general3A_118 = tpu.matmul %convert_element_type3A_6, %slice3A_116, %dot_general3A_117 {dimension_numbers = #tpu.dot_dimension_numbers<[1], [0], [0], [1], [0, 0, 1, 1], [], []>, transpose_lhs_hint = false} : vector<64x8xbf16>, vector<8x512xbf16>, vector<64x512xf32> -> vector<64x512xf32>
    %slice3A_119 = vector.extract_strided_slice %convert_element_type3A {offsets = [74, 0], sizes = [8, 512], strides = [1, 1]} : vector<106x512xbf16> to vector<8x512xbf16>
    %dot_general3A_120 = arith.constant dense<0.000000e+00> : vector<64x512xf32>
    %dot_general3A_121 = tpu.matmul %convert_element_type3A_6, %slice3A_119, %dot_general3A_120 {dimension_numbers = #tpu.dot_dimension_numbers<[1], [0], [0], [1], [0, 0, 1, 1], [], []>, transpose_lhs_hint = false} : vector<64x8xbf16>, vector<8x512xbf16>, vector<64x512xf32> -> vector<64x512xf32>
    %slice3A_122 = vector.extract_strided_slice %convert_element_type3A {offsets = [76, 0], sizes = [8, 512], strides = [1, 1]} : vector<106x512xbf16> to vector<8x512xbf16>
    %dot_general3A_123 = arith.constant dense<0.000000e+00> : vector<64x512xf32>
    %dot_general3A_124 = tpu.matmul %convert_element_type3A_6, %slice3A_122, %dot_general3A_123 {dimension_numbers = #tpu.dot_dimension_numbers<[1], [0], [0], [1], [0, 0, 1, 1], [], []>, transpose_lhs_hint = false} : vector<64x8xbf16>, vector<8x512xbf16>, vector<64x512xf32> -> vector<64x512xf32>
    %slice3A_125 = vector.extract_strided_slice %convert_element_type3A {offsets = [78, 0], sizes = [8, 512], strides = [1, 1]} : vector<106x512xbf16> to vector<8x512xbf16>
    %dot_general3A_126 = arith.constant dense<0.000000e+00> : vector<64x512xf32>
    %dot_general3A_127 = tpu.matmul %convert_element_type3A_6, %slice3A_125, %dot_general3A_126 {dimension_numbers = #tpu.dot_dimension_numbers<[1], [0], [0], [1], [0, 0, 1, 1], [], []>, transpose_lhs_hint = false} : vector<64x8xbf16>, vector<8x512xbf16>, vector<64x512xf32> -> vector<64x512xf32>
    %slice3A_128 = vector.extract_strided_slice %convert_element_type3A {offsets = [80, 0], sizes = [8, 512], strides = [1, 1]} : vector<106x512xbf16> to vector<8x512xbf16>
    %dot_general3A_129 = arith.constant dense<0.000000e+00> : vector<64x512xf32>
    %dot_general3A_130 = tpu.matmul %convert_element_type3A_6, %slice3A_128, %dot_general3A_129 {dimension_numbers = #tpu.dot_dimension_numbers<[1], [0], [0], [1], [0, 0, 1, 1], [], []>, transpose_lhs_hint = false} : vector<64x8xbf16>, vector<8x512xbf16>, vector<64x512xf32> -> vector<64x512xf32>
    %slice3A_131 = vector.extract_strided_slice %convert_element_type3A {offsets = [82, 0], sizes = [8, 512], strides = [1, 1]} : vector<106x512xbf16> to vector<8x512xbf16>
    %dot_general3A_132 = arith.constant dense<0.000000e+00> : vector<64x512xf32>
    %dot_general3A_133 = tpu.matmul %convert_element_type3A_6, %slice3A_131, %dot_general3A_132 {dimension_numbers = #tpu.dot_dimension_numbers<[1], [0], [0], [1], [0, 0, 1, 1], [], []>, transpose_lhs_hint = false} : vector<64x8xbf16>, vector<8x512xbf16>, vector<64x512xf32> -> vector<64x512xf32>
    %slice3A_134 = vector.extract_strided_slice %convert_element_type3A {offsets = [84, 0], sizes = [8, 512], strides = [1, 1]} : vector<106x512xbf16> to vector<8x512xbf16>
    %dot_general3A_135 = arith.constant dense<0.000000e+00> : vector<64x512xf32>
    %dot_general3A_136 = tpu.matmul %convert_element_type3A_6, %slice3A_134, %dot_general3A_135 {dimension_numbers = #tpu.dot_dimension_numbers<[1], [0], [0], [1], [0, 0, 1, 1], [], []>, transpose_lhs_hint = false} : vector<64x8xbf16>, vector<8x512xbf16>, vector<64x512xf32> -> vector<64x512xf32>
    %slice3A_137 = vector.extract_strided_slice %convert_element_type3A {offsets = [86, 0], sizes = [8, 512], strides = [1, 1]} : vector<106x512xbf16> to vector<8x512xbf16>
    %dot_general3A_138 = arith.constant dense<0.000000e+00> : vector<64x512xf32>
    %dot_general3A_139 = tpu.matmul %convert_element_type3A_6, %slice3A_137, %dot_general3A_138 {dimension_numbers = #tpu.dot_dimension_numbers<[1], [0], [0], [1], [0, 0, 1, 1], [], []>, transpose_lhs_hint = false} : vector<64x8xbf16>, vector<8x512xbf16>, vector<64x512xf32> -> vector<64x512xf32>
    %slice3A_140 = vector.extract_strided_slice %convert_element_type3A {offsets = [88, 0], sizes = [8, 512], strides = [1, 1]} : vector<106x512xbf16> to vector<8x512xbf16>
    %dot_general3A_141 = arith.constant dense<0.000000e+00> : vector<64x512xf32>
    %dot_general3A_142 = tpu.matmul %convert_element_type3A_6, %slice3A_140, %dot_general3A_141 {dimension_numbers = #tpu.dot_dimension_numbers<[1], [0], [0], [1], [0, 0, 1, 1], [], []>, transpose_lhs_hint = false} : vector<64x8xbf16>, vector<8x512xbf16>, vector<64x512xf32> -> vector<64x512xf32>
    %slice3A_143 = vector.extract_strided_slice %convert_element_type3A {offsets = [90, 0], sizes = [8, 512], strides = [1, 1]} : vector<106x512xbf16> to vector<8x512xbf16>
    %dot_general3A_144 = arith.constant dense<0.000000e+00> : vector<64x512xf32>
    %dot_general3A_145 = tpu.matmul %convert_element_type3A_6, %slice3A_143, %dot_general3A_144 {dimension_numbers = #tpu.dot_dimension_numbers<[1], [0], [0], [1], [0, 0, 1, 1], [], []>, transpose_lhs_hint = false} : vector<64x8xbf16>, vector<8x512xbf16>, vector<64x512xf32> -> vector<64x512xf32>
    %slice3A_146 = vector.extract_strided_slice %convert_element_type3A {offsets = [92, 0], sizes = [8, 512], strides = [1, 1]} : vector<106x512xbf16> to vector<8x512xbf16>
    %dot_general3A_147 = arith.constant dense<0.000000e+00> : vector<64x512xf32>
    %dot_general3A_148 = tpu.matmul %convert_element_type3A_6, %slice3A_146, %dot_general3A_147 {dimension_numbers = #tpu.dot_dimension_numbers<[1], [0], [0], [1], [0, 0, 1, 1], [], []>, transpose_lhs_hint = false} : vector<64x8xbf16>, vector<8x512xbf16>, vector<64x512xf32> -> vector<64x512xf32>
    %slice3A_149 = vector.extract_strided_slice %convert_element_type3A {offsets = [94, 0], sizes = [8, 512], strides = [1, 1]} : vector<106x512xbf16> to vector<8x512xbf16>
    %dot_general3A_150 = arith.constant dense<0.000000e+00> : vector<64x512xf32>
    %dot_general3A_151 = tpu.matmul %convert_element_type3A_6, %slice3A_149, %dot_general3A_150 {dimension_numbers = #tpu.dot_dimension_numbers<[1], [0], [0], [1], [0, 0, 1, 1], [], []>, transpose_lhs_hint = false} : vector<64x8xbf16>, vector<8x512xbf16>, vector<64x512xf32> -> vector<64x512xf32>
    %slice3A_152 = vector.extract_strided_slice %convert_element_type3A {offsets = [96, 0], sizes = [8, 512], strides = [1, 1]} : vector<106x512xbf16> to vector<8x512xbf16>
    %dot_general3A_153 = arith.constant dense<0.000000e+00> : vector<64x512xf32>
    %dot_general3A_154 = tpu.matmul %convert_element_type3A_6, %slice3A_152, %dot_general3A_153 {dimension_numbers = #tpu.dot_dimension_numbers<[1], [0], [0], [1], [0, 0, 1, 1], [], []>, transpose_lhs_hint = false} : vector<64x8xbf16>, vector<8x512xbf16>, vector<64x512xf32> -> vector<64x512xf32>
    %slice3A_155 = vector.extract_strided_slice %convert_element_type3A {offsets = [98, 0], sizes = [8, 512], strides = [1, 1]} : vector<106x512xbf16> to vector<8x512xbf16>
    %dot_general3A_156 = arith.constant dense<0.000000e+00> : vector<64x512xf32>
    %dot_general3A_157 = tpu.matmul %convert_element_type3A_6, %slice3A_155, %dot_general3A_156 {dimension_numbers = #tpu.dot_dimension_numbers<[1], [0], [0], [1], [0, 0, 1, 1], [], []>, transpose_lhs_hint = false} : vector<64x8xbf16>, vector<8x512xbf16>, vector<64x512xf32> -> vector<64x512xf32>
    %concatenate3A_158 = tpu.concatenate %dot_general3A_10, %dot_general3A_13, %dot_general3A_16, %dot_general3A_19, %dot_general3A_22, %dot_general3A_25, %dot_general3A_28, %dot_general3A_31, %dot_general3A_34, %dot_general3A_37, %dot_general3A_40, %dot_general3A_43, %dot_general3A_46, %dot_general3A_49, %dot_general3A_52, %dot_general3A_55, %dot_general3A_58, %dot_general3A_61, %dot_general3A_64, %dot_general3A_67, %dot_general3A_70, %dot_general3A_73, %dot_general3A_76, %dot_general3A_79, %dot_general3A_82, %dot_general3A_85, %dot_general3A_88, %dot_general3A_91, %dot_general3A_94, %dot_general3A_97, %dot_general3A_100, %dot_general3A_103, %dot_general3A_106, %dot_general3A_109, %dot_general3A_112, %dot_general3A_115, %dot_general3A_118, %dot_general3A_121, %dot_general3A_124, %dot_general3A_127, %dot_general3A_130, %dot_general3A_133, %dot_general3A_136, %dot_general3A_139, %dot_general3A_142, %dot_general3A_145, %dot_general3A_148, %dot_general3A_151, %dot_general3A_154, %dot_general3A_157 in 1 : vector<64x512xf32>, vector<64x512xf32>, vector<64x512xf32>, vector<64x512xf32>, vector<64x512xf32>, vector<64x512xf32>, vector<64x512xf32>, vector<64x512xf32>, vector<64x512xf32>, vector<64x512xf32>, vector<64x512xf32>, vector<64x512xf32>, vector<64x512xf32>, vector<64x512xf32>, vector<64x512xf32>, vector<64x512xf32>, vector<64x512xf32>, vector<64x512xf32>, vector<64x512xf32>, vector<64x512xf32>, vector<64x512xf32>, vector<64x512xf32>, vector<64x512xf32>, vector<64x512xf32>, vector<64x512xf32>, vector<64x512xf32>, vector<64x512xf32>, vector<64x512xf32>, vector<64x512xf32>, vector<64x512xf32>, vector<64x512xf32>, vector<64x512xf32>, vector<64x512xf32>, vector<64x512xf32>, vector<64x512xf32>, vector<64x512xf32>, vector<64x512xf32>, vector<64x512xf32>, vector<64x512xf32>, vector<64x512xf32>, vector<64x512xf32>, vector<64x512xf32>, vector<64x512xf32>, vector<64x512xf32>, vector<64x512xf32>, vector<64x512xf32>, vector<64x512xf32>, vector<64x512xf32>, vector<64x512xf32>, vector<64x512xf32> -> vector<64x25600xf32>
    %add3A = vector.broadcast %get3A_9 : vector<64x1xf32> to vector<64x25600xf32>
    %add3A_159 = arith.addf %concatenate3A_158, %add3A : vector<64x25600xf32>
    %max3A = arith.constant 0.000000e+00 : f32
    %max3A_160 = vector.broadcast %max3A : f32 to vector<64x25600xf32>
    %max3A_161 = arith.maximumf %add3A_159, %max3A_160 : vector<64x25600xf32>
    %convert_element_type3A_162 = arith.truncf %max3A_161 : vector<64x25600xf32> to vector<64x25600xbf16>
    %broadcast_in_dim3A_163 = arith.constant 0.000000e+00 : bf16
    %broadcast_in_dim3A_164 = vector.broadcast %broadcast_in_dim3A_163 : bf16 to vector<64x512xbf16>
    %slice3A_165 = vector.extract_strided_slice %convert_element_type3A_162 {offsets = [0, 0], sizes = [64, 25088], strides = [1, 1]} : vector<64x25600xbf16> to vector<64x25088xbf16>
    %concatenate3A_166 = tpu.concatenate %broadcast_in_dim3A_164, %slice3A_165 in 1 : vector<64x512xbf16>, vector<64x25088xbf16> -> vector<64x25600xbf16>
    %slice3A_167 = vector.extract_strided_slice %convert_element_type3A_162 {offsets = [0, 512], sizes = [64, 25088], strides = [1, 1]} : vector<64x25600xbf16> to vector<64x25088xbf16>
    %concatenate3A_168 = tpu.concatenate %slice3A_167, %broadcast_in_dim3A_164 in 1 : vector<64x25088xbf16>, vector<64x512xbf16> -> vector<64x25600xbf16>
    %concatenate3A_169 = tpu.concatenate %concatenate3A_166, %convert_element_type3A_162, %concatenate3A_168 in 0 : vector<64x25600xbf16>, vector<64x25600xbf16>, vector<64x25600xbf16> -> vector<192x25600xbf16>
    %get3A_170 = arith.constant 0 : index
    %get3A_171 = arith.constant 0 : index
    %get3A_172 = vector.load %arg4[%get3A_170, %get3A_171] : memref<64x192xf32, #tpu.memory_space<vmem>>, vector<64x192xf32>
    %convert_element_type3A_173 = arith.truncf %get3A_172 : vector<64x192xf32> to vector<64x192xbf16>
    %dot_general3A_174 = arith.constant dense<0.000000e+00> : vector<64x25600xf32>
    %dot_general3A_175 = tpu.matmul %convert_element_type3A_173, %concatenate3A_169, %dot_general3A_174 {dimension_numbers = #tpu.dot_dimension_numbers<[1], [0], [0], [1], [0, 0, 1, 1], [], []>, transpose_lhs_hint = false} : vector<64x192xbf16>, vector<192x25600xbf16>, vector<64x25600xf32> -> vector<64x25600xf32>
    %get3A_176 = arith.constant 0 : index
    %get3A_177 = arith.constant 0 : index
    %get3A_178 = vector.load %arg5[%get3A_176, %get3A_177] : memref<64x1xf32, #tpu.memory_space<vmem>>, vector<64x1xf32>
    %add3A_179 = vector.broadcast %get3A_178 : vector<64x1xf32> to vector<64x25600xf32>
    %add3A_180 = arith.addf %dot_general3A_175, %add3A_179 : vector<64x25600xf32>
    %max3A_181 = arith.constant 0.000000e+00 : f32
    %max3A_182 = vector.broadcast %max3A_181 : f32 to vector<64x25600xf32>
    %max3A_183 = arith.maximumf %add3A_180, %max3A_182 : vector<64x25600xf32>
    %slice3A_184 = vector.extract_strided_slice %max3A_183 {offsets = [0, 0], sizes = [64, 512], strides = [1, 1]} : vector<64x25600xf32> to vector<64x512xf32>
    %slice3A_185 = vector.extract_strided_slice %max3A_183 {offsets = [0, 512], sizes = [64, 512], strides = [1, 1]} : vector<64x25600xf32> to vector<64x512xf32>
    %slice3A_186 = vector.extract_strided_slice %max3A_183 {offsets = [0, 1024], sizes = [64, 512], strides = [1, 1]} : vector<64x25600xf32> to vector<64x512xf32>
    %slice3A_187 = vector.extract_strided_slice %max3A_183 {offsets = [0, 1536], sizes = [64, 512], strides = [1, 1]} : vector<64x25600xf32> to vector<64x512xf32>
    %slice3A_188 = vector.extract_strided_slice %max3A_183 {offsets = [0, 2048], sizes = [64, 512], strides = [1, 1]} : vector<64x25600xf32> to vector<64x512xf32>
    %slice3A_189 = vector.extract_strided_slice %max3A_183 {offsets = [0, 2560], sizes = [64, 512], strides = [1, 1]} : vector<64x25600xf32> to vector<64x512xf32>
    %slice3A_190 = vector.extract_strided_slice %max3A_183 {offsets = [0, 3072], sizes = [64, 512], strides = [1, 1]} : vector<64x25600xf32> to vector<64x512xf32>
    %slice3A_191 = vector.extract_strided_slice %max3A_183 {offsets = [0, 3584], sizes = [64, 512], strides = [1, 1]} : vector<64x25600xf32> to vector<64x512xf32>
    %slice3A_192 = vector.extract_strided_slice %max3A_183 {offsets = [0, 4096], sizes = [64, 512], strides = [1, 1]} : vector<64x25600xf32> to vector<64x512xf32>
    %slice3A_193 = vector.extract_strided_slice %max3A_183 {offsets = [0, 4608], sizes = [64, 512], strides = [1, 1]} : vector<64x25600xf32> to vector<64x512xf32>
    %slice3A_194 = vector.extract_strided_slice %max3A_183 {offsets = [0, 5120], sizes = [64, 512], strides = [1, 1]} : vector<64x25600xf32> to vector<64x512xf32>
    %slice3A_195 = vector.extract_strided_slice %max3A_183 {offsets = [0, 5632], sizes = [64, 512], strides = [1, 1]} : vector<64x25600xf32> to vector<64x512xf32>
    %slice3A_196 = vector.extract_strided_slice %max3A_183 {offsets = [0, 6144], sizes = [64, 512], strides = [1, 1]} : vector<64x25600xf32> to vector<64x512xf32>
    %slice3A_197 = vector.extract_strided_slice %max3A_183 {offsets = [0, 6656], sizes = [64, 512], strides = [1, 1]} : vector<64x25600xf32> to vector<64x512xf32>
    %slice3A_198 = vector.extract_strided_slice %max3A_183 {offsets = [0, 7168], sizes = [64, 512], strides = [1, 1]} : vector<64x25600xf32> to vector<64x512xf32>
    %slice3A_199 = vector.extract_strided_slice %max3A_183 {offsets = [0, 7680], sizes = [64, 512], strides = [1, 1]} : vector<64x25600xf32> to vector<64x512xf32>
    %slice3A_200 = vector.extract_strided_slice %max3A_183 {offsets = [0, 8192], sizes = [64, 512], strides = [1, 1]} : vector<64x25600xf32> to vector<64x512xf32>
    %slice3A_201 = vector.extract_strided_slice %max3A_183 {offsets = [0, 8704], sizes = [64, 512], strides = [1, 1]} : vector<64x25600xf32> to vector<64x512xf32>
    %slice3A_202 = vector.extract_strided_slice %max3A_183 {offsets = [0, 9216], sizes = [64, 512], strides = [1, 1]} : vector<64x25600xf32> to vector<64x512xf32>
    %slice3A_203 = vector.extract_strided_slice %max3A_183 {offsets = [0, 9728], sizes = [64, 512], strides = [1, 1]} : vector<64x25600xf32> to vector<64x512xf32>
    %slice3A_204 = vector.extract_strided_slice %max3A_183 {offsets = [0, 10240], sizes = [64, 512], strides = [1, 1]} : vector<64x25600xf32> to vector<64x512xf32>
    %slice3A_205 = vector.extract_strided_slice %max3A_183 {offsets = [0, 10752], sizes = [64, 512], strides = [1, 1]} : vector<64x25600xf32> to vector<64x512xf32>
    %slice3A_206 = vector.extract_strided_slice %max3A_183 {offsets = [0, 11264], sizes = [64, 512], strides = [1, 1]} : vector<64x25600xf32> to vector<64x512xf32>
    %slice3A_207 = vector.extract_strided_slice %max3A_183 {offsets = [0, 11776], sizes = [64, 512], strides = [1, 1]} : vector<64x25600xf32> to vector<64x512xf32>
    %slice3A_208 = vector.extract_strided_slice %max3A_183 {offsets = [0, 12288], sizes = [64, 512], strides = [1, 1]} : vector<64x25600xf32> to vector<64x512xf32>
    %slice3A_209 = vector.extract_strided_slice %max3A_183 {offsets = [0, 12800], sizes = [64, 512], strides = [1, 1]} : vector<64x25600xf32> to vector<64x512xf32>
    %slice3A_210 = vector.extract_strided_slice %max3A_183 {offsets = [0, 13312], sizes = [64, 512], strides = [1, 1]} : vector<64x25600xf32> to vector<64x512xf32>
    %slice3A_211 = vector.extract_strided_slice %max3A_183 {offsets = [0, 13824], sizes = [64, 512], strides = [1, 1]} : vector<64x25600xf32> to vector<64x512xf32>
    %slice3A_212 = vector.extract_strided_slice %max3A_183 {offsets = [0, 14336], sizes = [64, 512], strides = [1, 1]} : vector<64x25600xf32> to vector<64x512xf32>
    %slice3A_213 = vector.extract_strided_slice %max3A_183 {offsets = [0, 14848], sizes = [64, 512], strides = [1, 1]} : vector<64x25600xf32> to vector<64x512xf32>
    %slice3A_214 = vector.extract_strided_slice %max3A_183 {offsets = [0, 15360], sizes = [64, 512], strides = [1, 1]} : vector<64x25600xf32> to vector<64x512xf32>
    %slice3A_215 = vector.extract_strided_slice %max3A_183 {offsets = [0, 15872], sizes = [64, 512], strides = [1, 1]} : vector<64x25600xf32> to vector<64x512xf32>
    %slice3A_216 = vector.extract_strided_slice %max3A_183 {offsets = [0, 16384], sizes = [64, 512], strides = [1, 1]} : vector<64x25600xf32> to vector<64x512xf32>
    %slice3A_217 = vector.extract_strided_slice %max3A_183 {offsets = [0, 16896], sizes = [64, 512], strides = [1, 1]} : vector<64x25600xf32> to vector<64x512xf32>
    %slice3A_218 = vector.extract_strided_slice %max3A_183 {offsets = [0, 17408], sizes = [64, 512], strides = [1, 1]} : vector<64x25600xf32> to vector<64x512xf32>
    %slice3A_219 = vector.extract_strided_slice %max3A_183 {offsets = [0, 17920], sizes = [64, 512], strides = [1, 1]} : vector<64x25600xf32> to vector<64x512xf32>
    %slice3A_220 = vector.extract_strided_slice %max3A_183 {offsets = [0, 18432], sizes = [64, 512], strides = [1, 1]} : vector<64x25600xf32> to vector<64x512xf32>
    %slice3A_221 = vector.extract_strided_slice %max3A_183 {offsets = [0, 18944], sizes = [64, 512], strides = [1, 1]} : vector<64x25600xf32> to vector<64x512xf32>
    %slice3A_222 = vector.extract_strided_slice %max3A_183 {offsets = [0, 19456], sizes = [64, 512], strides = [1, 1]} : vector<64x25600xf32> to vector<64x512xf32>
    %slice3A_223 = vector.extract_strided_slice %max3A_183 {offsets = [0, 19968], sizes = [64, 512], strides = [1, 1]} : vector<64x25600xf32> to vector<64x512xf32>
    %slice3A_224 = vector.extract_strided_slice %max3A_183 {offsets = [0, 20480], sizes = [64, 512], strides = [1, 1]} : vector<64x25600xf32> to vector<64x512xf32>
    %slice3A_225 = vector.extract_strided_slice %max3A_183 {offsets = [0, 20992], sizes = [64, 512], strides = [1, 1]} : vector<64x25600xf32> to vector<64x512xf32>
    %slice3A_226 = vector.extract_strided_slice %max3A_183 {offsets = [0, 21504], sizes = [64, 512], strides = [1, 1]} : vector<64x25600xf32> to vector<64x512xf32>
    %slice3A_227 = vector.extract_strided_slice %max3A_183 {offsets = [0, 22016], sizes = [64, 512], strides = [1, 1]} : vector<64x25600xf32> to vector<64x512xf32>
    %slice3A_228 = vector.extract_strided_slice %max3A_183 {offsets = [0, 22528], sizes = [64, 512], strides = [1, 1]} : vector<64x25600xf32> to vector<64x512xf32>
    %slice3A_229 = vector.extract_strided_slice %max3A_183 {offsets = [0, 23040], sizes = [64, 512], strides = [1, 1]} : vector<64x25600xf32> to vector<64x512xf32>
    %slice3A_230 = vector.extract_strided_slice %max3A_183 {offsets = [0, 23552], sizes = [64, 512], strides = [1, 1]} : vector<64x25600xf32> to vector<64x512xf32>
    %slice3A_231 = vector.extract_strided_slice %max3A_183 {offsets = [0, 24064], sizes = [64, 512], strides = [1, 1]} : vector<64x25600xf32> to vector<64x512xf32>
    %slice3A_232 = vector.extract_strided_slice %max3A_183 {offsets = [0, 24576], sizes = [64, 512], strides = [1, 1]} : vector<64x25600xf32> to vector<64x512xf32>
    %slice3A_233 = vector.extract_strided_slice %max3A_183 {offsets = [0, 25088], sizes = [64, 512], strides = [1, 1]} : vector<64x25600xf32> to vector<64x512xf32>
    %add3A_234 = arith.addf %slice3A_184, %slice3A_185 : vector<64x512xf32>
    %add3A_235 = arith.addf %slice3A_186, %slice3A_187 : vector<64x512xf32>
    %add3A_236 = arith.addf %slice3A_188, %slice3A_189 : vector<64x512xf32>
    %add3A_237 = arith.addf %slice3A_190, %slice3A_191 : vector<64x512xf32>
    %add3A_238 = arith.addf %slice3A_192, %slice3A_193 : vector<64x512xf32>
    %add3A_239 = arith.addf %slice3A_194, %slice3A_195 : vector<64x512xf32>
    %add3A_240 = arith.addf %slice3A_196, %slice3A_197 : vector<64x512xf32>
    %add3A_241 = arith.addf %slice3A_198, %slice3A_199 : vector<64x512xf32>
    %add3A_242 = arith.addf %slice3A_200, %slice3A_201 : vector<64x512xf32>
    %add3A_243 = arith.addf %slice3A_202, %slice3A_203 : vector<64x512xf32>
    %add3A_244 = arith.addf %slice3A_204, %slice3A_205 : vector<64x512xf32>
    %add3A_245 = arith.addf %slice3A_206, %slice3A_207 : vector<64x512xf32>
    %add3A_246 = arith.addf %slice3A_208, %slice3A_209 : vector<64x512xf32>
    %add3A_247 = arith.addf %slice3A_210, %slice3A_211 : vector<64x512xf32>
    %add3A_248 = arith.addf %slice3A_212, %slice3A_213 : vector<64x512xf32>
    %add3A_249 = arith.addf %slice3A_214, %slice3A_215 : vector<64x512xf32>
    %add3A_250 = arith.addf %slice3A_216, %slice3A_217 : vector<64x512xf32>
    %add3A_251 = arith.addf %slice3A_218, %slice3A_219 : vector<64x512xf32>
    %add3A_252 = arith.addf %slice3A_220, %slice3A_221 : vector<64x512xf32>
    %add3A_253 = arith.addf %slice3A_222, %slice3A_223 : vector<64x512xf32>
    %add3A_254 = arith.addf %slice3A_224, %slice3A_225 : vector<64x512xf32>
    %add3A_255 = arith.addf %slice3A_226, %slice3A_227 : vector<64x512xf32>
    %add3A_256 = arith.addf %slice3A_228, %slice3A_229 : vector<64x512xf32>
    %add3A_257 = arith.addf %slice3A_230, %slice3A_231 : vector<64x512xf32>
    %add3A_258 = arith.addf %slice3A_232, %slice3A_233 : vector<64x512xf32>
    %add3A_259 = arith.addf %add3A_234, %add3A_235 : vector<64x512xf32>
    %add3A_260 = arith.addf %add3A_236, %add3A_237 : vector<64x512xf32>
    %add3A_261 = arith.addf %add3A_238, %add3A_239 : vector<64x512xf32>
    %add3A_262 = arith.addf %add3A_240, %add3A_241 : vector<64x512xf32>
    %add3A_263 = arith.addf %add3A_242, %add3A_243 : vector<64x512xf32>
    %add3A_264 = arith.addf %add3A_244, %add3A_245 : vector<64x512xf32>
    %add3A_265 = arith.addf %add3A_246, %add3A_247 : vector<64x512xf32>
    %add3A_266 = arith.addf %add3A_248, %add3A_249 : vector<64x512xf32>
    %add3A_267 = arith.addf %add3A_250, %add3A_251 : vector<64x512xf32>
    %add3A_268 = arith.addf %add3A_252, %add3A_253 : vector<64x512xf32>
    %add3A_269 = arith.addf %add3A_254, %add3A_255 : vector<64x512xf32>
    %add3A_270 = arith.addf %add3A_256, %add3A_257 : vector<64x512xf32>
    %add3A_271 = arith.addf %add3A_259, %add3A_260 : vector<64x512xf32>
    %add3A_272 = arith.addf %add3A_261, %add3A_262 : vector<64x512xf32>
    %add3A_273 = arith.addf %add3A_263, %add3A_264 : vector<64x512xf32>
    %add3A_274 = arith.addf %add3A_265, %add3A_266 : vector<64x512xf32>
    %add3A_275 = arith.addf %add3A_267, %add3A_268 : vector<64x512xf32>
    %add3A_276 = arith.addf %add3A_269, %add3A_270 : vector<64x512xf32>
    %add3A_277 = arith.addf %add3A_271, %add3A_272 : vector<64x512xf32>
    %add3A_278 = arith.addf %add3A_273, %add3A_274 : vector<64x512xf32>
    %add3A_279 = arith.addf %add3A_275, %add3A_276 : vector<64x512xf32>
    %add3A_280 = arith.addf %add3A_277, %add3A_278 : vector<64x512xf32>
    %add3A_281 = arith.addf %add3A_279, %add3A_258 : vector<64x512xf32>
    %add3A_282 = arith.addf %add3A_280, %add3A_281 : vector<64x512xf32>
    %mul3A = arith.constant 2.000000e-02 : f32
    %mul3A_283 = vector.broadcast %mul3A : f32 to vector<64x512xf32>
    %mul3A_284 = arith.mulf %add3A_282, %mul3A_283 : vector<64x512xf32>
    %transpose3A_285 = tpu.transpose %mul3A_284, [1, 0] : vector<64x512xf32> -> vector<512x64xf32>
    %get3A_286 = arith.constant 0 : index
    %get3A_287 = arith.constant 0 : index
    %get3A_288 = vector.load %arg6[%get3A_286, %get3A_287] : memref<64x128xf32, #tpu.memory_space<vmem>>, vector<64x128xf32>
    %convert_element_type3A_289 = arith.truncf %transpose3A_285 : vector<512x64xf32> to vector<512x64xbf16>
    %convert_element_type3A_290 = arith.truncf %get3A_288 : vector<64x128xf32> to vector<64x128xbf16>
    %dot_general3A_291 = arith.constant dense<0.000000e+00> : vector<512x128xf32>
    %dot_general3A_292 = tpu.matmul %convert_element_type3A_289, %convert_element_type3A_290, %dot_general3A_291 {dimension_numbers = #tpu.dot_dimension_numbers<[1], [0], [0], [1], [0, 0, 1, 1], [], []>, transpose_lhs_hint = false} : vector<512x64xbf16>, vector<64x128xbf16>, vector<512x128xf32> -> vector<512x128xf32>
    %get3A_293 = arith.constant 0 : index
    %get3A_294 = arith.constant 0 : index
    %get3A_295 = vector.load %arg7[%get3A_293, %get3A_294] : memref<1x128xf32, #tpu.memory_space<vmem>>, vector<1x128xf32>
    %add3A_296 = vector.broadcast %get3A_295 : vector<1x128xf32> to vector<512x128xf32>
    %add3A_297 = arith.addf %dot_general3A_292, %add3A_296 : vector<512x128xf32>
    %swap3A = arith.constant 0 : index
    %swap3A_298 = arith.constant 0 : index
    %swap3A_299 = vector.load %arg17[%swap3A, %swap3A_298] : memref<512x128xf32, #tpu.memory_space<vmem>>, vector<512x128xf32>
    tpu.vector_store %arg17[%swap3A, %swap3A_298], %add3A_297 {strides = array<i32>} : memref<512x128xf32, #tpu.memory_space<vmem>>, vector<512x128xf32>,
    %get3A_300 = arith.constant 0 : index
    %get3A_301 = arith.constant 0 : index
    %get3A_302 = vector.load %arg8[%get3A_300, %get3A_301] : memref<128x512xf32, #tpu.memory_space<vmem>>, vector<128x512xf32>
    %mul3A_303 = arith.mulf %get3A_302, %get3A_302 : vector<128x512xf32>
    %reduce_sum3A = arith.constant dense<0.000000e+00> : vector<512xf32>
    %reduce_sum3A_304 = vector.multi_reduction <add>, %mul3A_303, %reduce_sum3A [0] : vector<128x512xf32> to vector<512xf32>
    %broadcast_in_dim3A_305 = vector.shape_cast %reduce_sum3A_304 : vector<512xf32> to vector<1x512xf32>
    %convert_element_type3A_306 = arith.truncf %add3A_297 : vector<512x128xf32> to vector<512x128xbf16>
    %convert_element_type3A_307 = arith.truncf %get3A_302 : vector<128x512xf32> to vector<128x512xbf16>
    %dot_general3A_308 = arith.constant dense<0.000000e+00> : vector<512x512xf32>
    %dot_general3A_309 = tpu.matmul %convert_element_type3A_306, %convert_element_type3A_307, %dot_general3A_308 {dimension_numbers = #tpu.dot_dimension_numbers<[1], [0], [0], [1], [0, 0, 1, 1], [], []>, transpose_lhs_hint = false} : vector<512x128xbf16>, vector<128x512xbf16>, vector<512x512xf32> -> vector<512x512xf32>
    %mul3A_310 = arith.constant 2.000000e+00 : f32
    %mul3A_311 = vector.broadcast %mul3A_310 : f32 to vector<512x512xf32>
    %mul3A_312 = arith.mulf %mul3A_311, %dot_general3A_309 : vector<512x512xf32>
    %sub3A = vector.broadcast %broadcast_in_dim3A_305 : vector<1x512xf32> to vector<512x512xf32>
    %sub3A_313 = arith.subf %sub3A, %mul3A_312 : vector<512x512xf32>
    %iota3A = tpu.iota {dimensions = array<i32: 1>} : vector<512x512xi32>
    %reduce_min3A = arith.constant dense<0x7F800000> : vector<512xf32>
    %reduce_min3A_314 = vector.multi_reduction <minimumf>, %sub3A_313, %reduce_min3A [1] : vector<512x512xf32> to vector<512xf32>
    %broadcast_in_dim3A_315 = vector.shape_cast %reduce_min3A_314 : vector<512xf32> to vector<512x1xf32>
    %eq3A = vector.broadcast %broadcast_in_dim3A_315 : vector<512x1xf32> to vector<512x512xf32>
    %eq3A_316 = arith.cmpf oeq, %sub3A_313, %eq3A : vector<512x512xf32>
    %jit3A = arith.constant 512 : i32
    %broadcast_in_dim3A_317 = vector.broadcast %jit3A : i32 to vector<512x512xi32>
    %select_n3A = arith.select %eq3A_316, %iota3A, %broadcast_in_dim3A_317 : vector<512x512xi1>, vector<512x512xi32>
    %reduce_min3A_318 = arith.constant dense<2147483647> : vector<512xi32>
    %reduce_min3A_319 = vector.multi_reduction <minsi>, %select_n3A, %reduce_min3A_318 [1] : vector<512x512xi32> to vector<512xi32>
    %broadcast_in_dim3A_320 = vector.shape_cast %reduce_min3A_319 : vector<512xi32> to vector<512x1xi32>
    %swap3A_321 = arith.constant 0 : index
    %swap3A_322 = arith.constant 0 : index
    %swap3A_323 = vector.load %arg19[%swap3A_321, %swap3A_322] : memref<512x1xi32, #tpu.memory_space<vmem>>, vector<512x1xi32>
    tpu.vector_store %arg19[%swap3A_321, %swap3A_322], %broadcast_in_dim3A_320 {strides = array<i32>} : memref<512x1xi32, #tpu.memory_space<vmem>>, vector<512x1xi32>,
    %broadcast_in_dim3A_324 = vector.shape_cast %reduce_min3A_319 : vector<512xi32> to vector<512x1xi32>
    %eq3A_325 = vector.broadcast %broadcast_in_dim3A_324 : vector<512x1xi32> to vector<512x512xi32>
    %eq3A_326 = arith.cmpi eq, %iota3A, %eq3A_325 : vector<512x512xi32>
    %convert_element_type3A_327 = arith.extui %eq3A_326 : vector<512x512xi1> to vector<512x512xi32>
    %convert_element_type3A_328 = arith.sitofp %convert_element_type3A_327 : vector<512x512xi32> to vector<512x512xf32>
    %get3A_329 = arith.constant 0 : index
    %get3A_330 = arith.constant 0 : index
    %get3A_331 = vector.load %arg9[%get3A_329, %get3A_330] : memref<512x128xf32, #tpu.memory_space<vmem>>, vector<512x128xf32>
    %dot_general3A_332 = arith.constant dense<0.000000e+00> : vector<512x128xf32>
    %dot_general3A_333 = tpu.matmul %convert_element_type3A_328, %get3A_331, %dot_general3A_332 {dimension_numbers = #tpu.dot_dimension_numbers<[1], [0], [0], [1], [0, 0, 1, 1], [], []>, precision = #tpu.contract_precision<fp32>, transpose_lhs_hint = false} : vector<512x512xf32>, vector<512x128xf32>, vector<512x128xf32> -> vector<512x128xf32>
    %sub3A_334 = arith.subf %dot_general3A_333, %add3A_297 : vector<512x128xf32>
    %add3A_335 = arith.addf %add3A_297, %sub3A_334 : vector<512x128xf32>
    %swap3A_336 = arith.constant 0 : index
    %swap3A_337 = arith.constant 0 : index
    %swap3A_338 = vector.load %arg18[%swap3A_336, %swap3A_337] : memref<512x128xf32, #tpu.memory_space<vmem>>, vector<512x128xf32>
    tpu.vector_store %arg18[%swap3A_336, %swap3A_337], %add3A_335 {strides = array<i32>} : memref<512x128xf32, #tpu.memory_space<vmem>>, vector<512x128xf32>,
    %sub3A_339 = arith.subf %dot_general3A_333, %add3A_297 : vector<512x128xf32>
    %mul3A_340 = arith.mulf %sub3A_339, %sub3A_339 : vector<512x128xf32>
    %reduce_sum3A_341 = vector.shape_cast %mul3A_340 : vector<512x128xf32> to vector<1x512x128xf32>
    %reduce_sum3A_342 = arith.constant dense<0.000000e+00> : vector<1xf32>
    %reduce_sum3A_343 = vector.multi_reduction <add>, %reduce_sum3A_341, %reduce_sum3A_342 [1, 2] : vector<1x512x128xf32> to vector<1xf32>
    %reduce_sum3A_344 = vector.shape_cast %reduce_sum3A_343 : vector<1xf32> to vector<1x1x1xf32>
    %reduce_sum3A_345 = vector.extract %reduce_sum3A_344[0, 0, 0] : f32 from vector<1x1x1xf32>
    %get3A_346 = arith.constant 0 : index
    %get3A_347 = arith.constant 0 : index
    %get3A_348 = vector.load %arg10[%get3A_346, %get3A_347] : memref<128x256xf32, #tpu.memory_space<vmem>>, vector<128x256xf32>
    %convert_element_type3A_349 = arith.truncf %add3A_335 : vector<512x128xf32> to vector<512x128xbf16>
    %convert_element_type3A_350 = arith.truncf %get3A_348 : vector<128x256xf32> to vector<128x256xbf16>
    %dot_general3A_351 = arith.constant dense<0.000000e+00> : vector<512x256xf32>
    %dot_general3A_352 = tpu.matmul %convert_element_type3A_349, %convert_element_type3A_350, %dot_general3A_351 {dimension_numbers = #tpu.dot_dimension_numbers<[1], [0], [0], [1], [0, 0, 1, 1], [], []>, transpose_lhs_hint = false} : vector<512x128xbf16>, vector<128x256xbf16>, vector<512x256xf32> -> vector<512x256xf32>
    %get3A_353 = arith.constant 0 : index
    %get3A_354 = arith.constant 0 : index
    %get3A_355 = vector.load %arg11[%get3A_353, %get3A_354] : memref<1x256xf32, #tpu.memory_space<vmem>>, vector<1x256xf32>
    %add3A_356 = vector.broadcast %get3A_355 : vector<1x256xf32> to vector<512x256xf32>
    %add3A_357 = arith.addf %dot_general3A_352, %add3A_356 : vector<512x256xf32>
    %max3A_358 = arith.constant 0.000000e+00 : f32
    %max3A_359 = vector.broadcast %max3A_358 : f32 to vector<512x256xf32>
    %max3A_360 = arith.maximumf %add3A_357, %max3A_359 : vector<512x256xf32>
    %get3A_361 = arith.constant 0 : index
    %get3A_362 = arith.constant 0 : index
    %get3A_363 = vector.load %arg12[%get3A_361, %get3A_362] : memref<256x256xf32, #tpu.memory_space<vmem>>, vector<256x256xf32>
    %convert_element_type3A_364 = arith.truncf %max3A_360 : vector<512x256xf32> to vector<512x256xbf16>
    %convert_element_type3A_365 = arith.truncf %get3A_363 : vector<256x256xf32> to vector<256x256xbf16>
    %dot_general3A_366 = arith.constant dense<0.000000e+00> : vector<512x256xf32>
    %dot_general3A_367 = tpu.matmul %convert_element_type3A_364, %convert_element_type3A_365, %dot_general3A_366 {dimension_numbers = #tpu.dot_dimension_numbers<[1], [0], [0], [1], [0, 0, 1, 1], [], []>, transpose_lhs_hint = false} : vector<512x256xbf16>, vector<256x256xbf16>, vector<512x256xf32> -> vector<512x256xf32>
    %get3A_368 = arith.constant 0 : index
    %get3A_369 = arith.constant 0 : index
    %get3A_370 = vector.load %arg13[%get3A_368, %get3A_369] : memref<1x256xf32, #tpu.memory_space<vmem>>, vector<1x256xf32>
    %add3A_371 = vector.broadcast %get3A_370 : vector<1x256xf32> to vector<512x256xf32>
    %add3A_372 = arith.addf %dot_general3A_367, %add3A_371 : vector<512x256xf32>
    %max3A_373 = arith.constant 0.000000e+00 : f32
    %max3A_374 = vector.broadcast %max3A_373 : f32 to vector<512x256xf32>
    %max3A_375 = arith.maximumf %add3A_372, %max3A_374 : vector<512x256xf32>
    %get3A_376 = arith.constant 0 : index
    %get3A_377 = arith.constant 0 : index
    %get3A_378 = vector.load %arg14[%get3A_376, %get3A_377] : memref<256x100xf32, #tpu.memory_space<vmem>>, vector<256x100xf32>
    %convert_element_type3A_379 = arith.truncf %max3A_375 : vector<512x256xf32> to vector<512x256xbf16>
    %convert_element_type3A_380 = arith.truncf %get3A_378 : vector<256x100xf32> to vector<256x100xbf16>
    %dot_general3A_381 = arith.constant dense<0.000000e+00> : vector<512x100xf32>
    %dot_general3A_382 = tpu.matmul %convert_element_type3A_379, %convert_element_type3A_380, %dot_general3A_381 {dimension_numbers = #tpu.dot_dimension_numbers<[1], [0], [0], [1], [0, 0, 1, 1], [], []>, transpose_lhs_hint = false} : vector<512x256xbf16>, vector<256x100xbf16>, vector<512x100xf32> -> vector<512x100xf32>
    %get3A_383 = arith.constant 0 : index
    %get3A_384 = arith.constant 0 : index
    %get3A_385 = vector.load %arg15[%get3A_383, %get3A_384] : memref<1x100xf32, #tpu.memory_space<vmem>>, vector<1x100xf32>
    %add3A_386 = vector.broadcast %get3A_385 : vector<1x100xf32> to vector<512x100xf32>
    %add3A_387 = arith.addf %dot_general3A_382, %add3A_386 : vector<512x100xf32>
    %swap3A_388 = arith.constant 0 : index
    %swap3A_389 = arith.constant 0 : index
    %swap3A_390 = vector.load %arg16[%swap3A_388, %swap3A_389] : memref<512x100xf32, #tpu.memory_space<vmem>>, vector<512x100xf32>
    tpu.vector_store %arg16[%swap3A_388, %swap3A_389], %add3A_387 {strides = array<i32>} : memref<512x100xf32, #tpu.memory_space<vmem>>, vector<512x100xf32>,
    %sub3A_391 = arith.subf %add3A_387, %get3A_1 : vector<512x100xf32>
    %mul3A_392 = arith.mulf %sub3A_391, %sub3A_391 : vector<512x100xf32>
    %reduce_sum3A_393 = vector.shape_cast %mul3A_392 : vector<512x100xf32> to vector<1x512x100xf32>
    %reduce_sum3A_394 = arith.constant dense<0.000000e+00> : vector<1xf32>
    %reduce_sum3A_395 = vector.multi_reduction <add>, %reduce_sum3A_393, %reduce_sum3A_394 [1, 2] : vector<1x512x100xf32> to vector<1xf32>
    %reduce_sum3A_396 = vector.shape_cast %reduce_sum3A_395 : vector<1xf32> to vector<1x1x1xf32>
    %reduce_sum3A_397 = vector.extract %reduce_sum3A_396[0, 0, 0] : f32 from vector<1x1x1xf32>
    %iota3A_398 = tpu.iota {dimensions = array<i32: 1>} : vector<1x128xi32>
    %eq3A_399 = arith.constant 0 : i32
    %eq3A_400 = vector.broadcast %eq3A_399 : i32 to vector<1x128xi32>
    %eq3A_401 = arith.cmpi eq, %iota3A_398, %eq3A_400 : vector<1x128xi32>
    %jit3A_402 = arith.constant 0.000000e+00 : f32
    %broadcast_in_dim3A_403 = vector.broadcast %reduce_sum3A_397 : f32 to vector<1x128xf32>
    %broadcast_in_dim3A_404 = vector.broadcast %jit3A_402 : f32 to vector<1x128xf32>
    %select_n3A_405 = arith.select %eq3A_401, %broadcast_in_dim3A_403, %broadcast_in_dim3A_404 : vector<1x128xi1>, vector<1x128xf32>
    %eq3A_406 = arith.constant 1 : i32
    %eq3A_407 = vector.broadcast %eq3A_406 : i32 to vector<1x128xi32>
    %eq3A_408 = arith.cmpi eq, %iota3A_398, %eq3A_407 : vector<1x128xi32>
    %jit3A_409 = arith.constant 0.000000e+00 : f32
    %broadcast_in_dim3A_410 = vector.broadcast %reduce_sum3A_345 : f32 to vector<1x128xf32>
    %broadcast_in_dim3A_411 = vector.broadcast %jit3A_409 : f32 to vector<1x128xf32>
    %select_n3A_412 = arith.select %eq3A_408, %broadcast_in_dim3A_410, %broadcast_in_dim3A_411 : vector<1x128xi1>, vector<1x128xf32>
    %add3A_413 = arith.addf %select_n3A_405, %select_n3A_412 : vector<1x128xf32>
    %eq3A_414 = arith.constant 0 : i32
    %eq3A_415 = arith.cmpi eq, %arg0, %eq3A_414 : i32
    %convert_element_type3A_416 = arith.extui %eq3A_415 : i1 to i32
    %cond3A = arith.constant 0 : i32
    %cond3A_417 = arith.cmpi ne, %convert_element_type3A_416, %cond3A : i32
    scf.if %cond3A_417 {
      %broadcast_in_dim3A_425 = arith.constant 0.000000e+00 : f32
      %broadcast_in_dim3A_426 = vector.broadcast %broadcast_in_dim3A_425 : f32 to vector<1x128xf32>
      %swap3A_427 = arith.constant 0 : index
      %swap3A_428 = arith.constant 0 : index
      %swap3A_429 = vector.load %arg20[%swap3A_427, %swap3A_428] : memref<1x128xf32, #tpu.memory_space<vmem>>, vector<1x128xf32>
      tpu.vector_store %arg20[%swap3A_427, %swap3A_428], %broadcast_in_dim3A_426 {strides = array<i32>} : memref<1x128xf32, #tpu.memory_space<vmem>>, vector<1x128xf32>,
    } else {
    }
    %get3A_418 = arith.constant 0 : index
    %get3A_419 = arith.constant 0 : index
    %get3A_420 = vector.load %arg20[%get3A_418, %get3A_419] : memref<1x128xf32, #tpu.memory_space<vmem>>, vector<1x128xf32>
    %add3A_421 = arith.addf %get3A_420, %add3A_413 : vector<1x128xf32>
    %swap3A_422 = arith.constant 0 : index
    %swap3A_423 = arith.constant 0 : index
    %swap3A_424 = vector.load %arg20[%swap3A_422, %swap3A_423] : memref<1x128xf32, #tpu.memory_space<vmem>>, vector<1x128xf32>
    tpu.vector_store %arg20[%swap3A_422, %swap3A_423], %add3A_421 {strides = array<i32>} : memref<1x128xf32, #tpu.memory_space<vmem>>, vector<1x128xf32>,
    return
  }
  func.func @transform_0(%arg0: i32) -> (i32, i32) {
    %c0_i32 = arith.constant 0 : i32
    %c0_i32_0 = arith.constant 0 : i32
    return %arg0, %c0_i32 : i32, i32
  }
  func.func @transform_1(%arg0: i32) -> (i32, i32) {
    %c0_i32 = arith.constant 0 : i32
    %c0_i32_0 = arith.constant 0 : i32
    %c0_i32_1 = arith.constant 0 : i32
    return %c0_i32, %c0_i32_0 : i32, i32
  }
  func.func @transform_2(%arg0: i32) -> (i32, i32) {
    %c0_i32 = arith.constant 0 : i32
    %c0_i32_0 = arith.constant 0 : i32
    %c0_i32_1 = arith.constant 0 : i32
    return %c0_i32, %c0_i32_0 : i32, i32
  }
  func.func @transform_3(%arg0: i32) -> (i32, i32) {
    %c0_i32 = arith.constant 0 : i32
    %c0_i32_0 = arith.constant 0 : i32
    %c0_i32_1 = arith.constant 0 : i32
    return %c0_i32, %c0_i32_0 : i32, i32
  }
  func.func @transform_4(%arg0: i32) -> (i32, i32) {
    %c0_i32 = arith.constant 0 : i32
    %c0_i32_0 = arith.constant 0 : i32
    %c0_i32_1 = arith.constant 0 : i32
    return %c0_i32, %c0_i32_0 : i32, i32
  }
  func.func @transform_5(%arg0: i32) -> (i32, i32) {
    %c0_i32 = arith.constant 0 : i32
    %c0_i32_0 = arith.constant 0 : i32
    %c0_i32_1 = arith.constant 0 : i32
    return %c0_i32, %c0_i32_0 : i32, i32
  }
  func.func @transform_6(%arg0: i32) -> (i32, i32) {
    %c0_i32 = arith.constant 0 : i32
    %c0_i32_0 = arith.constant 0 : i32
    %c0_i32_1 = arith.constant 0 : i32
    return %c0_i32, %c0_i32_0 : i32, i32
  }
  func.func @transform_7(%arg0: i32) -> (i32, i32) {
    %c0_i32 = arith.constant 0 : i32
    %c0_i32_0 = arith.constant 0 : i32
    %c0_i32_1 = arith.constant 0 : i32
    return %c0_i32, %c0_i32_0 : i32, i32
  }
  func.func @transform_8(%arg0: i32) -> (i32, i32) {
    %c0_i32 = arith.constant 0 : i32
    %c0_i32_0 = arith.constant 0 : i32
    %c0_i32_1 = arith.constant 0 : i32
    return %c0_i32, %c0_i32_0 : i32, i32
  }
  func.func @transform_9(%arg0: i32) -> (i32, i32) {
    %c0_i32 = arith.constant 0 : i32
    %c0_i32_0 = arith.constant 0 : i32
    %c0_i32_1 = arith.constant 0 : i32
    return %c0_i32, %c0_i32_0 : i32, i32
  }
  func.func @transform_10(%arg0: i32) -> (i32, i32) {
    %c0_i32 = arith.constant 0 : i32
    %c0_i32_0 = arith.constant 0 : i32
    %c0_i32_1 = arith.constant 0 : i32
    return %c0_i32, %c0_i32_0 : i32, i32
  }
  func.func @transform_11(%arg0: i32) -> (i32, i32) {
    %c0_i32 = arith.constant 0 : i32
    %c0_i32_0 = arith.constant 0 : i32
    %c0_i32_1 = arith.constant 0 : i32
    return %c0_i32, %c0_i32_0 : i32, i32
  }
  func.func @transform_12(%arg0: i32) -> (i32, i32) {
    %c0_i32 = arith.constant 0 : i32
    %c0_i32_0 = arith.constant 0 : i32
    %c0_i32_1 = arith.constant 0 : i32
    return %c0_i32, %c0_i32_0 : i32, i32
  }
  func.func @transform_13(%arg0: i32) -> (i32, i32) {
    %c0_i32 = arith.constant 0 : i32
    %c0_i32_0 = arith.constant 0 : i32
    %c0_i32_1 = arith.constant 0 : i32
    return %c0_i32, %c0_i32_0 : i32, i32
  }
  func.func @transform_14(%arg0: i32) -> (i32, i32) {
    %c0_i32 = arith.constant 0 : i32
    %c0_i32_0 = arith.constant 0 : i32
    %c0_i32_1 = arith.constant 0 : i32
    return %c0_i32, %c0_i32_0 : i32, i32
  }
  func.func @transform_15(%arg0: i32) -> (i32, i32) {
    %c0_i32 = arith.constant 0 : i32
    %c0_i32_0 = arith.constant 0 : i32
    return %arg0, %c0_i32 : i32, i32
  }
  func.func @transform_16(%arg0: i32) -> (i32, i32) {
    %c0_i32 = arith.constant 0 : i32
    %c0_i32_0 = arith.constant 0 : i32
    return %arg0, %c0_i32 : i32, i32
  }
  func.func @transform_17(%arg0: i32) -> (i32, i32) {
    %c0_i32 = arith.constant 0 : i32
    %c0_i32_0 = arith.constant 0 : i32
    return %arg0, %c0_i32 : i32, i32
  }
  func.func @transform_18(%arg0: i32) -> (i32, i32) {
    %c0_i32 = arith.constant 0 : i32
    %c0_i32_0 = arith.constant 0 : i32
    return %arg0, %c0_i32 : i32, i32
  }
  func.func @transform_19(%arg0: i32) -> (i32, i32) {
    %c0_i32 = arith.constant 0 : i32
    %c0_i32_0 = arith.constant 0 : i32
    %c0_i32_1 = arith.constant 0 : i32
    return %c0_i32, %c0_i32_0 : i32, i32
  }
}

</mosaic_0001>

<sc_bundles>
// kernel: sparse-core-data-format-call.1.cloned.1.call-start
scs
called_computation.1_lowered:
.L_overlay_start_0:
0x0: {  	s2 =	sld [smem:$0x3FD9]  }
0x1: {  	s3 =	sld [smem:$0x3FFE];
	_ =	sdelay $0x1  }
0x2: {  	s1 =	srdreg.scid  }
0x3: {  	s0 =	sand.u32 $0x1, s1  }
0x4: {  	s16 =	sshll.u32 s0, $0xA;
	s2 =	sadd.s32 s3, s2  }
0x5: {  	s2 =	sadd.s32 s2, s16  }
0x6: {  	[smem:$0x3FBA] =	sst s2  }
0x7: {  	_ = 	snop  }
0x8: {  	s2 =	sld [smem:$0x3FD0];
	_ =	sdelay $0x2  }
0x9: {  	s17 =	simm.s32 $0xC;
	s4 =	simm.s32 $0x10  }
0xa: {  	[smem:s4], [sflag:s17] =	dma.local [hbm:s2], $0x1  }
0xb: {  	_ =	swait.eq [sflag:s17], $0x1  }
0xc: {  	[sflag:s17] =	ssyncset.done $0x0  }
0xd: {  	[sflag:s17] =	ssyncadd.s32 $0xFFFFFFFF  }
0xe: {  	s18 =	sld [smem:$0x14];
	(tm) =	ssettm $0x1  }
0xf: {  	s19 =	sld [smem:$0x3FFB];
	_ =	sdelay $0x3  }
0x10: {  	_ =	strace s19  }
0x11: {  	s2 =	sld [smem:$0x3FFC];
	_ =	sdelay $0x3  }
0x12: {  	_ =	strace s2  }
0x13: {  	s2 =	sld [smem:$0x3FFD];
	_ =	sdelay $0x3  }
0x14: {  	_ =	strace s2  }
0x15: {  	_ =	strace $0x8FFFFFFF  }
0x16: {  	s20 =	sld [smem:$0x3FDB];
	_ =	sdelay $0x1  }
0x17: {  	s21 =	simm.s32 $_scs_section_size  }
0x18: {  	s5 =	simm.s32 $_size__tile_overlayer_lowered;
	s6 =	simm.s32 $_tile_overlayer_lowered  }
0x19: {  	s7 =	simm.s32 $0x1BFF;
	s22 =	sshll.u32 s6, $0x1;
	s4 =	sadd.s32 s21, s20  }
0x1a: {  	s23 =	simm.s32 $0x0;
	s5 =	sshll.u32 s5, $0x1;
	s6 =	sadd.s32 s22, s4  }
0x1b: {  	[timem:s23], [sflag:s7] =	dma.local [hbm:s6], s5  }
0x1c: {  	_ =	swait.ge [sflag:s7], s5  }
0x1d: {  	s5 =	ssub.s32 $0x0, s5;
	[sflag:s7] =	ssyncset.done $0x0  }
0x1e: {  	[sflag:s7] =	ssyncadd.s32 s5;
	_ =	sdelay $0x1  }
0x1f: {  	s24 =	simm.s32 $0x1B8B  }
0x20: {  	_ =	swait.ge [sflag:s24], $0x1  }
0x21: {  	[sflag:s24] =	ssyncset.done $0x0  }
0x22: {  	[sflag:s24] =	ssyncadd.s32 $0xFFFFFFFF  }
0x23: {  	s5 =	sld [smem:$0x0]  }
0x24: {  	s6 =	sand.u32 $0xFFFFFFFE, s1  }
0x25: {  	p0 =	sne.s32 s1, s6  }
0x26: {  	s6 =	sshll.u32 @p0 s6, $0xE  }
0x27: {  	s6 =	sadd.s32 @p0 $0x11B8D, s6;
	s7 =	sshll.u32 @p0 s5, $0x11  }
0x28: {  	s6 =	sor.u32 @p0 s7, s6  }
0x29: {  	[sflag:s6] =	ssyncadd.remote.s32 @p0 $0x1;
	_ =	sdelay $0x1  }
0x2a: {  	s6 =	simm.s32 @p0 $0x1B8D  }
0x2b: {  	_ =	swait.eq @p0 [sflag:s6], $0x1  }
0x2c: {  	[sflag:s6] =	ssyncadd.s32 @p0 $0xFFFFFFFF  }
0x2d: {  	s7 =	sshll.u32 @!p0 s1, $0xE  }
0x2e: {  	s7 =	sor.u32 @!p0 $0x4000, s7;
	s6 =	simm.s32 @!p0 $0x1B8D  }
0x2f: {  	s5 =	sshll.u32 @!p0 s5, $0x11;
	s7 =	sadd.s32 @!p0 $0x11B8D, s7;
	_ =	swait.eq @!p0 [sflag:s6], $0x1  }
0x30: {  	s5 =	sor.u32 @!p0 s5, s7;
	[sflag:s6] =	ssyncadd.s32 @!p0 $0xFFFFFFFF  }
0x31: {  	s26 =	simm.s32 $0x1B8E;
	s25 =	sld [smem:$0x3FFE];
	[sflag:s5] =	ssyncadd.remote.s32 @!p0 $0x1  }
0x32: {  	s27 =	simm.s32 $execute0_lowered;
	[smem:$0x3FD2] =	sst s26  }
0x33: {  	s6 =	sshll.u32 s27, $0x1;
	_ =	strace $0x8000004C;
	[dreg:$0x1] =	wrdreg $0xFFFFFFFF  }
0x34: {  	s28 =	simm.s32 $_size_execute0_lowered;
	s4 =	sadd.s32 s4, s6;
	[dreg:$0x0] =	wrdreg $0x0  }
0x35: {  	s6 =	sshll.u32 s28, $0x1;
	[dreg:$0x2] =	wrdreg s4  }
0x36: {  	[dreg:$0x3] =	wrdreg s6  }
0x37: {  	[dreg:$0x4] =	wrdreg $0xC0  }
0x38: {  	_ =	task [dreg:s23], $0x5FFFF  }
0x39: {  	[dreg:$0x1] =	wrdreg $0xFFFFFFFF  }
0x3a: {  	[dreg:$0x0] =	wrdreg $0x60  }
0x3b: {  	[dreg:$0x2] =	wrdreg s25  }
0x3c: {  	[dreg:$0x3] =	wrdreg s18  }
0x3d: {  	[dreg:$0x4] =	wrdreg $0xA  }
0x3e: {  	_ =	task.clear_ibuf [dreg:s23], $0x5FFFF;
	_ =	strace $0x9000004C  }
0x3f: {  	s29 =	simm.s32 $0xA;
	_ =	strace $0x8000004E  }
0x40: {  	_ =	swait.ge [sflag:s29], $0x1  }
0x41: {  	[sflag:s29] =	ssyncadd.s32 $0xFFFFFFFF  }
0x42: {  	_ =	strace $0x9000004E  }
0x43: {  	_ =	sfence  }
0x44: {  	s30 =	sld [smem:$0x0];
	_ =	sdelay $0x2  }
0x45: {  	s31 =	sshll.u32 s1, $0xD;
	s1 =	sshrl.u32 s1, $0x2  }
0x46: {  	s4 =	sand.u32 $0x4000, s31;
	s1 =	sadd.s32 s1, s30  }
0x47: {  	s0 =	sor.u32 s4, s0;
	s1 =	sshll.u32 s1, $0x11  }
0x48: {  	s0 =	sor.u32 s1, s0  }
0x49: {  	s0 =	sadd.s32 $0x8F2B, s0  }
0x4a: {  	[sflag:s0] =	ssyncadd.remote.s32 $0x1  }
0x4b: {  	_ =	sfence.sel $0xFFFF  }
0x4c: {  	[dreg:$0x0] =	wrdreg $0xFFFFFFFF;
	(pc) =	sbr.abs _section_cstart, $3  }
0x4d: {  	[dreg:$0x1] =	wrdreg $0xFFFFFFFF  }
0x4e: {  	_ =	task.clear_ibuf [dreg:s23], $0x2FFFF;
	_ =	strace $0x9FFFFFFF  }
0x4f: {  	(tm) =	ssettm $0x7FFFFFFF  }
tec
execute0_lowered:
.L_overlay_start_1:
0x0: {  	(tag) =	ssettag $0x1  }
0x1: {  	s0 =	srdreg.scid  }
0x2: {  	s1 =	sshll.u32 s0, $0x4  }
0x3: {  	s0 =	stileid.u32;
	s1 =	sand.u32 $0x10, s1  }
0x4: {  	s6 =	rddreg [dreg:$0x0];
	s1 =	sor.u32 s0, s1  }
0x5: {  	s4 =	simm.s32 $0x1;
	s7 =	simm.s32 $0x2;
	s2 =	sshll.u32 s1, $0x5  }
0x6: {  	s14 =	simm.s32 $0x0;
	s8 =	simm.s32 $0x1000;
	s1 =	ssub.s32 $0x400, s2  }
0x7: {  	s9 =	simm.s32 $0x20000;
	s10 =	simm.s32 $0x0;
	s3 =	sand.u32 $0x3E0, s1  }
0x8: {  	s15 =	simm.s32 $0x0;
	s5 =	sshrl.u32 s1, $0xA;
	p0 =	sne.s32 s3, $0x0  }
.Ltmp0:
0x9: {  	s1 =	rddreg [dreg:$0x2];
	s4 =	simm.s32 @!p0 $0x0;
	(pc) =	sbr.rel .LBB1_1-.Ltmp0, $4  }
0xa: {  	s11 =	simm.s32 $0x0;
	s3 =	rddreg [dreg:$0x1];
	s5 =	sadd.s32 s4, s5  }
0xb: {  	_ =	strace $0x8000004D;
	s4 =	simm.s32 $0x1;
	s5 =	smul.u32 $0x19, s5  }
0xc: {  	s13 =	simm.s32 $0x0;
	s6 =	sadd.s32 $0x652E00, s6;
	[sflag:s4] =	ssyncpa.u1 $0x0  }
0xd: {  	s12 =	smov.u32 s2;
	[sflag:s7] =	ssyncpa.u1 $0x0;
	s7 =	sadd.s32 $0x1, s5  }
.LBB1_7:
0xe: {  	s16 =	sadd.s32 $0x4, s11  }
0xf: {  	s14 =	sadd.s32 $0x400, s12;
	s18 =	smov.u32 s12;
	p1 =	sgt.s32 s16, $0x63  }
0x10: {  	s18 =	smov.u32 @p1 s14  }
0x11: {  	s16 =	simm.s32 @p1 $0x0;
	p1 =	sgt.s32 s18, $0x3FF  }
0x12: {  	s18 =	smov.u32 @p1 s2;
	p1 =	sne.s32 s13, s7  }
.Ltmp1:
0x13: {  	p0 =	slt.u32 s13, $0x2;
	(pc) =	sbr.rel @!p1 .LBB1_8-.Ltmp1, $4  }
0x14: {  	s17 =	simm.s32 @!p0 $0x2  }
0x15: {  	s15 =	smov.u32 s12;
	s10 =	sadd.s32 $0x4000, s10;
	_ =	swait.ge @!p0 [sflag:s17], $0x4000  }
0x16: {  	s14 =	smov.u32 s11;
	[sflag:s17] =	ssyncset.done @!p0 $0x0;
	s11 =	smov.u32 s16  }
0x17: {  	s13 =	sadd.s32 $0x1, s13;
	[sflag:s17] =	ssyncadd.s32 @!p0 $0xFFFFC000;
	s12 =	smov.u32 s18  }
.LBB1_1:
0x18: {  	p0 =	sge.u32 s13, s5  }
0x19: {  	s16 =	sand.u32 @!p0 $0x1FFFFFF, s11  }
0x1a: {  	s17 =	smulhi.u32 @!p0 $0x2762763, s16;
	_ =	sdelay $0x1  }
0x1b: {  	s17 =	smul.u32 @!p0 $0x68, s17  }
0x1c: {  	s18 =	sxor.u32 @!p0 $0xFFFFFFFF, s13;
	s19 =	smul.u32 @!p0 $0x680, s12  }
0x1d: {  	s31 =	sadd.s32 $0xFFFFFFFF, s13;
	s18 =	sshll.u32 @!p0 s18, $0xE;
	s16 =	ssub.s32 @!p0 s16, s17  }
0x1e: {  	s17 =	sand.u32 @!p0 $0x4000, s18;
	s18 =	sadd.s32 @!p0 s6, s19;
	s16 =	sshll.u32 @!p0 s16, $0x4  }
0x1f: {  	s19 =	simm.s32 @!p0 $0x3400;
	s16 =	sadd.s32 @!p0 s16, s18;
	s18 =	simm.s32 @!p0 $0x200  }
0x20: {  	[tilespmem:s17], [sflag:$0x1] =	stream.strided.gather @!p0 [hbm4b:s16+s18], $0x4000, s19, s18, $0x38;
	[tilespmem:$0x10000] =	vst v63  }
0x21: {  	p0 =	sge.u32 s31, s5  }
.Ltmp2:
0x22: {  	_ = 	snop;
	(pc) =	sbr.rel @p0 .LBB1_7-.Ltmp2, $1  }
0x23: {  	_ =	sdelay $0x3  }
0x24: {  	s17 =	sand.u32 $0x4000, s10  }
0x25: {  	_ =	swait.ge [sflag:s4], $0x4000;
	s19 =	sshll.u32 s13, $0xE;
	s16 =	sor.u32 $0x8040, s17  }
0x26: {  	s18 =	sor.u32 $0x40, s17;
	[sflag:s4] =	ssyncset.done $0x0;
	s31 =	sand.u32 $0x4000, s19  }
0x27: {  	s19 =	simm.s32 $0x0;
	[sflag:s4] =	ssyncadd.s32 $0xFFFFC000;
	s17 =	sor.u32 $0x8000, s31  }
.LBB1_3:
0x28: {  	v0 =	vmov s18;
	_ =	sdelay $0x3  }
0x29: {  	s21 =	simm.s32 $0x0  }
0x2a: {  	v6 =	vld.idx.msk [tilespmem:v0+s21+$0x30 ss:$0x1], $0xffff  }
0x2b: {  	v7 =	vld.idx.msk [tilespmem:v0+s21+$0xFFFFFFC0 ss:$0x1], $0xffff  }
0x2c: {  	v5 =	vld.idx.msk [tilespmem:v0+s21+$0xFFFFFFD0 ss:$0x1], $0xffff  }
0x2d: {  	v4 =	vld.idx.msk [tilespmem:v0+s21+$0xFFFFFFE0 ss:$0x1], $0xffff  }
0x2e: {  	v3 =	vld.idx.msk [tilespmem:v0+s21+$0xFFFFFFF0 ss:$0x1], $0xffff  }
0x2f: {  	v1 =	vld.idx.msk [tilespmem:v0+s21+$0x0 ss:$0x1], $0xffff  }
0x30: {  	v2 =	vld.idx.msk [tilespmem:v0+s21+$0x10 ss:$0x1], $0xffff;
	[tilespmem:s16+$0x30] =	vst v6  }
0x31: {  	s20 =	simm.s32 $0x80;
	s22 =	simm.s32 $0x400;
	[tilespmem:s16+$0xFFFFFFC0] =	vst v7;
	v6 =	vld.idx.msk [tilespmem:v0+s21+$0x20 ss:$0x1], $0xffff;
	s21 =	smov.u32 s16  }
.LBB1_4:
0x32: {  	p0 =	sne.s32 s22, $0x600;
	v7 =	vld.idx.msk [tilespmem:v0+s20+$0x30 ss:$0x1], $0xffff;
	[tilespmem:s21+$0xFFFFFFD0] =	vst v5  }
0x33: {  	v8 =	vld.idx.msk [tilespmem:v0+s20+$0xFFFFFFC0 ss:$0x1], $0xffff;
	[tilespmem:s21+$0xFFFFFFE0] =	vst v4  }
0x34: {  	v5 =	vld.idx.msk [tilespmem:v0+s20+$0xFFFFFFD0 ss:$0x1], $0xffff;
	[tilespmem:s21+$0xFFFFFFF0] =	vst v3  }
.Ltmp3:
0x35: {  	v4 =	vld.idx.msk [tilespmem:v0+s20+$0xFFFFFFE0 ss:$0x1], $0xffff;
	[tilespmem:s21+$0x0] =	vst v1;
	(pc) =	sbr.rel @p0 .LBB1_4-.Ltmp3, $4  }
0x36: {  	v3 =	vld.idx.msk [tilespmem:v0+s20+$0xFFFFFFF0 ss:$0x1], $0xffff;
	[tilespmem:s21+$0x10] =	vst v2  }
0x37: {  	v1 =	vld.idx.msk [tilespmem:v0+s20+$0x0 ss:$0x1], $0xffff;
	[tilespmem:s21+$0x20] =	vst v6;
	s21 =	sadd.s32 $0x1000, s21  }
0x38: {  	v2 =	vld.idx.msk [tilespmem:v0+s20+$0x10 ss:$0x1], $0xffff;
	[tilespmem:s21+$0x30] =	vst v7  }
0x39: {  	[tilespmem:s21+$0xFFFFFFC0] =	vst v8;
	v6 =	vld.idx.msk [tilespmem:v0+s20+$0x20 ss:$0x1], $0xffff;
	s20 =	sshra.s32 s22, $0x2;
	s22 =	sadd.s32 $0x200, s22  }
0x3a: {  	_ =	sdelay $0x2  }
0x3b: {  	[tilespmem:s21+$0xFFFFFFD0] =	vst v5  }
0x3c: {  	v56 =	vld.idx.msk [tilespmem:v0+s20+$0x30 ss:$0x1], $0xffff;
	[tilespmem:s21+$0xFFFFFFE0] =	vst v4  }
0x3d: {  	v57 =	vld.idx.msk [tilespmem:v0+s20+$0xFFFFFFC0 ss:$0x1], $0xffff;
	[tilespmem:s21+$0xFFFFFFF0] =	vst v3  }
0x3e: {  	v58 =	vld.idx.msk [tilespmem:v0+s20+$0xFFFFFFD0 ss:$0x1], $0xffff;
	[tilespmem:s21+$0x0] =	vst v1  }
0x3f: {  	v59 =	vld.idx.msk [tilespmem:v0+s20+$0xFFFFFFE0 ss:$0x1], $0xffff;
	[tilespmem:s21+$0x10] =	vst v2  }
0x40: {  	v60 =	vld.idx.msk [tilespmem:v0+s20+$0xFFFFFFF0 ss:$0x1], $0xffff;
	s31 =	sadd.s32 $0x1000, s21;
	[tilespmem:s21+$0x20] =	vst v6  }
0x41: {  	v61 =	vld.idx.msk [tilespmem:v0+s20+$0x0 ss:$0x1], $0xffff;
	[tilespmem:s31+$0x30] =	vst v56  }
0x42: {  	v62 =	vld.idx.msk [tilespmem:v0+s20+$0x10 ss:$0x1], $0xffff;
	s19 =	sadd.s32 $0x1, s19;
	[tilespmem:s31+$0xFFFFFFC0] =	vst v57  }
0x43: {  	v63 =	vld.idx.msk [tilespmem:v0+s20+$0x20 ss:$0x1], $0xffff;
	p0 =	sne.s32 s19, $0x20;
	[tilespmem:s31+$0xFFFFFFD0] =	vst v58  }
.Ltmp4:
0x44: {  	[tilespmem:s31+$0xFFFFFFE0] =	vst v59;
	(pc) =	sbr.rel @p0 .LBB1_3-.Ltmp4, $4  }
0x45: {  	[tilespmem:s31+$0xFFFFFFF0] =	vst v60  }
0x46: {  	[tilespmem:s31+$0x0] =	vst v61  }
0x47: {  	[tilespmem:s31+$0x10] =	vst v62  }
0x48: {  	s16 =	sadd.s32 $0x80, s16;
	s18 =	sadd.s32 $0x200, s18;
	[tilespmem:s31+$0x20] =	vst v63  }
.Ltmp5:
0x49: {  	s15 =	sshll.u32 s15, $0x4;
	(pc) =	sbr.rel .LBB1_7-.Ltmp5, $4  }
0x4a: {  	s15 =	sand.u32 $0x3FF0, s15  }
0x4b: {  	s14 =	sshll.u32 s14, $0xE;
	s15 =	sadd.s32 s3, s15  }
0x4c: {  	s14 =	sadd.s32 s14, s15  }
0x4d: {  	[hbm4b:s14+s8] =	stream.strided.scatter [tilespmem:s17], [sflag:$0x2], $0x4000, s9, s8, $0x38;
	[tilespmem:$0x10000] =	vst v63  }
.LBB1_8:
0x4e: {  	_ =	sfence.sel $0x180000  }
0x4f: {  	s2 =	simm.s32 $0x1;
	[bflag:$0x0] =	sbarrier.arrive $0xFFFF  }
0x50: {  	s31 =	simm.s32 $0x2;
	[sflag:s2] =	ssyncpa.u1 $0x1  }
0x51: {  	[sflag:s31] =	ssyncpa.u1 $0x1  }
0x52: {  	p0 =	sne.s32 s0, $0x0;
	_ =	strace $0x9000004D  }
0x53: {  	s0 =	sadd.s32 @!p0 $0x100000, s1;
	[bflag:$0x2] =	sbarrier.arrive $0xFFFF  }
0x54: {  	[sflag:s0] =	ssyncadd.tile.s32 @!p0 $0x1;
	_ =	shalt  }
.Lfunc_end1:
_tile_overlayer_lowered:
.L_overlay_start_2:
0x55: {  	(tag) =	ssettag $0x2  }
0x56: {  	s0 =	rddreg [dreg:$0x0];
	s2 =	stileid.u32  }
0x57: {  	s1 =	rddreg [dreg:$0x1];
	p0 =	sne.s32 s2, $0x0  }
0x58: {  	s3 =	rddreg [dreg:$0x2];
	[bflag:$0x3] =	sbarrier.arrive $0xFFFF;
	s2 =	simm.s32 @!p0 $0x1C01  }
0x59: {  	[timem:s3], [sflag:s2] =	dma.local @!p0 [hbm:s0], s1  }
0x5a: {  	s0 =	simm.s32 @!p0 $0x1  }
0x5b: {  	_ =	swait.ge @!p0 [sflag:s0], s1  }
0x5c: {  	s1 =	ssub.s32 @!p0 $0x0, s1;
	[sflag:s0] =	ssyncset.done @!p0 $0x0  }
0x5d: {  	[sflag:s0] =	ssyncadd.s32 @!p0 s1  }
0x5e: {  	[bflag:$0x3] =	sbarrier.arrive $0xFFFF  }
0x5f: {  	_ =	shalt  }

// kernel: sparse-core-data-format-call.2.cloned.1.call-start
scs
called_computation.2_lowered:
.L_overlay_start_0:
0x0: {  	s2 =	sld [smem:$0x3FD9]  }
0x1: {  	s3 =	sld [smem:$0x3FFE];
	_ =	sdelay $0x1  }
0x2: {  	s1 =	srdreg.scid  }
0x3: {  	s0 =	sand.u32 $0x1, s1  }
0x4: {  	s15 =	sshll.u32 s0, $0xA;
	s2 =	sadd.s32 s3, s2  }
0x5: {  	s2 =	sadd.s32 s2, s15  }
0x6: {  	[smem:$0x3FBA] =	sst s2  }
0x7: {  	_ = 	snop  }
0x8: {  	s2 =	sld [smem:$0x3FD0];
	_ =	sdelay $0x2  }
0x9: {  	s16 =	simm.s32 $0xC;
	s4 =	simm.s32 $0x10  }
0xa: {  	[smem:s4], [sflag:s16] =	dma.local [hbm:s2], $0x1  }
0xb: {  	_ =	swait.eq [sflag:s16], $0x1  }
0xc: {  	[sflag:s16] =	ssyncset.done $0x0  }
0xd: {  	[sflag:s16] =	ssyncadd.s32 $0xFFFFFFFF  }
0xe: {  	s17 =	sld [smem:$0x10];
	(tm) =	ssettm $0x1  }
0xf: {  	s18 =	sld [smem:$0x3FFB];
	_ =	sdelay $0x3  }
0x10: {  	_ =	strace s18  }
0x11: {  	s3 =	sld [smem:$0x3FFC];
	_ =	sdelay $0x3  }
0x12: {  	_ =	strace s3  }
0x13: {  	s3 =	sld [smem:$0x3FFD];
	_ =	sdelay $0x3  }
0x14: {  	_ =	strace s3  }
0x15: {  	_ =	strace $0x8FFFFFFF  }
0x16: {  	s19 =	sld [smem:$0x3FDB];
	_ =	sdelay $0x1  }
0x17: {  	s20 =	simm.s32 $_scs_section_size  }
0x18: {  	s5 =	simm.s32 $_size__tile_overlayer_lowered;
	s6 =	simm.s32 $_tile_overlayer_lowered  }
0x19: {  	s23 =	simm.s32 $0x1BFF;
	s22 =	sshll.u32 s6, $0x1;
	s3 =	sadd.s32 s20, s19  }
0x1a: {  	s7 =	simm.s32 $0x0;
	s21 =	sshll.u32 s5, $0x1;
	s5 =	sadd.s32 s22, s3  }
0x1b: {  	[timem:s7], [sflag:s23] =	dma.local [hbm:s5], s21  }
0x1c: {  	_ =	swait.ge [sflag:s23], s21  }
0x1d: {  	s4 =	ssub.s32 $0x0, s21;
	[sflag:s23] =	ssyncset.done $0x0  }
0x1e: {  	[sflag:s23] =	ssyncadd.s32 s4;
	_ =	sdelay $0x1  }
0x1f: {  	s24 =	simm.s32 $0x1B8B  }
0x20: {  	_ =	swait.ge [sflag:s24], $0x1  }
0x21: {  	[sflag:s24] =	ssyncset.done $0x0  }
0x22: {  	s26 =	simm.s32 $0x1B8E;
	s25 =	sld [smem:$0x3FFE];
	[sflag:s24] =	ssyncadd.s32 $0xFFFFFFFF  }
0x23: {  	s27 =	simm.s32 $execute0_lowered;
	[smem:$0x3FD2] =	sst s26  }
0x24: {  	s5 =	sshll.u32 s27, $0x1;
	_ =	strace $0x80000049;
	[dreg:$0x1] =	wrdreg $0xFFFFFFFF  }
0x25: {  	s28 =	simm.s32 $_size_execute0_lowered;
	s3 =	sadd.s32 s3, s5;
	[dreg:$0x0] =	wrdreg $0x0  }
0x26: {  	s5 =	sshll.u32 s28, $0x1;
	[dreg:$0x2] =	wrdreg s3  }
0x27: {  	[dreg:$0x3] =	wrdreg s5  }
0x28: {  	[dreg:$0x4] =	wrdreg $0xC0  }
0x29: {  	_ =	task [dreg:s7], $0x5FFFF  }
0x2a: {  	[dreg:$0x1] =	wrdreg $0xFFFFFFFF  }
0x2b: {  	[dreg:$0x0] =	wrdreg $0x60  }
0x2c: {  	[dreg:$0x2] =	wrdreg s25  }
0x2d: {  	[dreg:$0x3] =	wrdreg s17  }
0x2e: {  	[dreg:$0x4] =	wrdreg $0xB  }
0x2f: {  	_ =	task.clear_ibuf [dreg:s7], $0x5FFFF;
	_ =	strace $0x90000049  }
0x30: {  	s29 =	simm.s32 $0xB;
	_ =	strace $0x8000004B  }
0x31: {  	_ =	swait.ge [sflag:s29], $0x1  }
0x32: {  	[sflag:s29] =	ssyncadd.s32 $0xFFFFFFFF  }
0x33: {  	_ =	strace $0x9000004B  }
0x34: {  	_ =	sfence  }
0x35: {  	s30 =	sld [smem:$0x0];
	_ =	sdelay $0x2  }
0x36: {  	s31 =	sshll.u32 s1, $0xD;
	s1 =	sshrl.u32 s1, $0x2  }
0x37: {  	s3 =	sand.u32 $0x4000, s31;
	s1 =	sadd.s32 s1, s30  }
0x38: {  	s0 =	sor.u32 s3, s0;
	s1 =	sshll.u32 s1, $0x11  }
0x39: {  	s0 =	sor.u32 s1, s0  }
0x3a: {  	s0 =	sadd.s32 $0x8F2B, s0  }
0x3b: {  	[sflag:s0] =	ssyncadd.remote.s32 $0x1  }
0x3c: {  	_ =	sfence.sel $0xFFFF  }
0x3d: {  	[dreg:$0x0] =	wrdreg $0xFFFFFFFF;
	(pc) =	sbr.abs _section_cstart, $3  }
0x3e: {  	[dreg:$0x1] =	wrdreg $0xFFFFFFFF  }
0x3f: {  	_ =	task.clear_ibuf [dreg:s7], $0x2FFFF;
	_ =	strace $0x9FFFFFFF  }
0x40: {  	(tm) =	ssettm $0x7FFFFFFF  }
0x41: {  	_ =	shalt  }
tec
execute0_lowered:
.L_overlay_start_1:
0x0: {  	(tag) =	ssettag $0x1  }
0x1: {  	s4 =	rddreg [dreg:$0x0]  }
0x2: {  	s0 =	stileid.u32;
	s2 =	rddreg [dreg:$0x1]  }
0x3: {  	s7 =	srdreg.scid;
	s8 =	simm.s32 $0x2;
	s16 =	simm.s32 $0x0  }
0x4: {  	s9 =	simm.s32 $0x2000;
	s15 =	simm.s32 $0x0;
	s1 =	sshll.u32 s0, $0x7  }
0x5: {  	s10 =	simm.s32 $0x0;
	s11 =	simm.s32 $0x0;
	s3 =	sand.u32 $0x380, s1  }
0x6: {  	s14 =	simm.s32 $0x0;
	s7 =	sshll.u32 s7, $0x4;
	s5 =	ssub.s32 $0x400, s3  }
0x7: {  	s4 =	sadd.s32 $0x4B2E00, s4;
	s1 =	rddreg [dreg:$0x2];
	s6 =	sand.u32 $0x380, s5  }
0x8: {  	s7 =	sand.u32 $0x10, s7;
	p0 =	sne.s32 s6, $0x0;
	s6 =	simm.s32 $0x1  }
.Ltmp0:
0x9: {  	s5 =	sshrl.u32 s5, $0xA;
	s6 =	simm.s32 @!p0 $0x0;
	(pc) =	sbr.rel .LBB1_1-.Ltmp0, $4  }
0xa: {  	_ =	strace $0x8000004A;
	s7 =	sor.u32 s0, s7;
	s6 =	sadd.s32 s6, s5  }
0xb: {  	s7 =	sshrl.u32 s7, $0x3;
	s5 =	simm.s32 $0x1;
	s6 =	smul.u32 $0x19, s6  }
0xc: {  	s13 =	smov.u32 s3;
	s12 =	smov.u32 s7;
	[sflag:s5] =	ssyncpa.u1 $0x0  }
0xd: {  	p0 =	por $0x0, $0x0;
	[sflag:s8] =	ssyncpa.u1 $0x0;
	s8 =	sadd.s32 $0x1, s6  }
.LBB1_4:
0xe: {  	s21 =	sshra.s32 s21, $0x2  }
0xf: {  	v5 =	vld [tilespmem:s18+$0xFFFFFFD0];
	s30 =	sshrl.u32 s11, $0x7;
	p1 =	sgt.s32 s10, $0x63;
	s22 =	smov.u32 s10  }
0x10: {  	[tilespmem:s19+$0x2040 ss:$0x81] =	vst.msk $0xffff, v4;
	s23 =	sshra.s32 s10, $0x1F;
	v58 =	vld [tilespmem:s18+$0xFFFFFFE0];
	s25 =	sshra.s32 s11, $0x1F;
	s27 =	smul.u32 $0x3400, s10  }
0x11: {  	[tilespmem:s19+$0x2850 ss:$0x81] =	vst.msk $0xffff, v3;
	v59 =	vld [tilespmem:s18+$0xFFFFFFF0];
	s28 =	sshrl.u32 s11, $0x3;
	s20 =	sadd.s32 s21, s20;
	s21 =	sand.u32 $0x3FFFFF, s30  }
0x12: {  	[tilespmem:s19+$0x3060 ss:$0x81] =	vst.msk $0xffff, v2;
	v60 =	vld [tilespmem:s18+$0x0];
	s22 =	simm.s32 @!p1 $0x63;
	s23 =	sand.u32 s23, s10;
	p1 =	sgt.s32 s11, $0x380  }
0x13: {  	[tilespmem:s19+$0x0 ss:$0x81] =	vst.msk $0xffff, v1;
	v61 =	vld [tilespmem:s18+$0x10];
	s25 =	sand.u32 s25, s11;
	s22 =	ssub.s32 s22, s23;
	s23 =	smov.u32 s11  }
0x14: {  	s24 =	smulhi.u32 $0x2762763, s21;
	[tilespmem:s20+$0x3870 ss:$0x81] =	vst.msk $0xffff, v0;
	s31 =	ssub.s32 $0x64, s22;
	s23 =	simm.s32 @!p1 $0x380  }
0x15: {  	v62 =	vld [tilespmem:s18+$0x20];
	s22 =	sadd.s32 $0xFFFFFF9D, s22;
	s23 =	ssub.s32 s23, s25;
	s19 =	smul.u32 $0x68, s31;
	[tilespmem:s20+$0x810 ss:$0x81] =	vst.msk $0xffff, v5  }
0x16: {  	v63 =	vld [tilespmem:s18+$0xFFFFFFC0];
	s24 =	smul.u32 $0x68, s24;
	p1 =	sgt.s32 s22, $0x0;
	s26 =	sadd.s32 $0xFFFFFC80, s23;
	[tilespmem:s20+$0x1020 ss:$0x81] =	vst.msk $0xffff, v58  }
0x17: {  	s18 =	ssub.s32 $0x400, s23;
	[tilespmem:s20+$0x1830 ss:$0x81] =	vst.msk $0xffff, v59;
	s19 =	simm.s32 @p1 $0x0;
	p1 =	sgt.s32 s26, $0x7F  }
0x18: {  	s29 =	sand.u32 $0x7, s11;
	s22 =	sadd.s32 s2, s27;
	[tilespmem:s20+$0x2040 ss:$0x81] =	vst.msk $0xffff, v60;
	s18 =	simm.s32 @p1 $0x0  }
0x19: {  	[tilespmem:s20+$0x2850 ss:$0x81] =	vst.msk $0xffff, v61;
	s21 =	ssub.s32 s21, s24;
	s18 =	smul.u32 s18, s19;
	s19 =	sand.u32 $0xF, s28  }
0x1a: {  	s30 =	sshll.u32 s29, $0x12;
	[tilespmem:s20+$0x3060 ss:$0x81] =	vst.msk $0xffff, v62;
	s21 =	sshll.u32 s21, $0x7;
	s19 =	sadd.s32 s19, s22  }
0x1b: {  	s31 =	sor.u32 $0x400, s30;
	[tilespmem:s20+$0x0 ss:$0x81] =	vst.msk $0xffff, v63;
	s18 =	sand.u32 $0x3FFFFFF8, s18;
	s19 =	sadd.s32 s21, s19  }
0x1c: {  	[hbm4b:s19+s31] =	stream.strided.scatter [tilespmem:s17], [sflag:$0x2], s18, s9, s31, $0x20;
	[tilespmem:$0x10100] =	vst v63  }
.LBB1_5:
0x1d: {  	p1 =	slt.u32 s14, $0x2  }
0x1e: {  	s18 =	smov.u32 s16;
	p2 =	sgt.s32 @!p1 s16, $0x63;
	s17 =	sshra.s32 @!p1 s16, $0x1F  }
0x1f: {  	p3 =	sgt.s32 @!p1 s15, $0x380;
	s19 =	sshra.s32 @!p1 s15, $0x1F;
	p2 =	por !p2, p1  }
0x20: {  	s16 =	sand.u32 @!p1 s17, s16;
	p3 =	por !p3, p1;
	s17 =	smov.u32 s15  }
0x21: {  	s15 =	sand.u32 @!p1 s19, s15;
	s18 =	simm.s32 @p2 $0x63;
	s17 =	simm.s32 @p3 $0x380  }
0x22: {  	s19 =	smov.u32 s13;
	s16 =	ssub.s32 @!p1 s18, s16;
	s15 =	ssub.s32 @!p1 s17, s15  }
0x23: {  	s17 =	sadd.s32 @!p1 $0xFFFFFF9D, s16;
	s16 =	ssub.s32 @!p1 $0x64, s16;
	s18 =	sadd.s32 @!p1 $0xFFFFFC80, s15  }
0x24: {  	p2 =	sgt.s32 @!p1 s17, $0x0;
	s16 =	smul.u32 @!p1 $0x68, s16;
	p3 =	sgt.s32 @!p1 s18, $0x7F  }
0x25: {  	s15 =	ssub.s32 @!p1 $0x400, s15;
	p2 =	por !p2, p1;
	p3 =	por !p3, p1  }
0x26: {  	s17 =	sadd.s32 $0x4, s12;
	s16 =	simm.s32 @!p2 $0x0;
	s15 =	simm.s32 @!p3 $0x0  }
0x27: {  	p2 =	sgt.s32 s17, $0x63;
	s15 =	smul.u32 @!p1 s15, s16;
	s16 =	sadd.s32 $0x400, s13  }
0x28: {  	s19 =	smov.u32 @p2 s16  }
0x29: {  	s17 =	smov.u32 @p2 s7;
	p2 =	sgt.s32 s19, $0x3FF  }
0x2a: {  	s19 =	smov.u32 @p2 s3;
	p2 =	sne.s32 s14, s8  }
.Ltmp1:
0x2b: {  	p0 =	por !p0, !p0;
	s18 =	simm.s32 @!p1 $0x2;
	(pc) =	sbr.rel @!p2 .LBB1_6-.Ltmp1, $4  }
0x2c: {  	s16 =	smov.u32 s10;
	s10 =	smov.u32 s12;
	s15 =	sand.u32 @!p1 $0x3FFFFFF8, s15  }
0x2d: {  	s12 =	smov.u32 s17;
	_ =	swait.ge @!p1 [sflag:s18], s15;
	s20 =	ssub.s32 @!p1 $0x0, s15  }
0x2e: {  	s15 =	smov.u32 s11;
	s14 =	sadd.s32 $0x1, s14;
	[sflag:s18] =	ssyncset.done @!p1 $0x0  }
0x2f: {  	s11 =	smov.u32 s13;
	s13 =	smov.u32 s19;
	[sflag:s18] =	ssyncadd.s32 @!p1 s20  }
.LBB1_1:
0x30: {  	p1 =	sge.u32 s14, s6  }
0x31: {  	s17 =	sand.u32 @!p1 $0x1FFFFFF, s12  }
0x32: {  	s18 =	smulhi.u32 @!p1 $0x2762763, s17;
	_ =	sdelay $0x1  }
0x33: {  	s18 =	smul.u32 @!p1 $0x68, s18  }
0x34: {  	s19 =	sxor.u32 @!p1 $0xFFFFFFFF, s14;
	s20 =	smul.u32 @!p1 $0x680, s13  }
0x35: {  	s31 =	sadd.s32 $0xFFFFFFFF, s14;
	s19 =	sshll.u32 @!p1 s19, $0xE;
	s17 =	ssub.s32 @!p1 s17, s18  }
0x36: {  	s18 =	sand.u32 @!p1 $0x4000, s19;
	s19 =	sadd.s32 @!p1 s4, s20;
	s17 =	sshll.u32 @!p1 s17, $0x4  }
0x37: {  	s20 =	simm.s32 @!p1 $0x3400;
	s17 =	sadd.s32 @!p1 s17, s19;
	s19 =	simm.s32 @!p1 $0x80  }
0x38: {  	[tilespmem:s18], [sflag:$0x1] =	stream.strided.gather @!p1 [hbm4b:s17+s19], $0x4000, s20, s19, $0x38;
	[tilespmem:$0x10100] =	vst v63  }
0x39: {  	p1 =	sge.u32 s31, s6  }
.Ltmp2:
0x3a: {  	_ = 	snop;
	(pc) =	sbr.rel @p1 .LBB1_5-.Ltmp2, $1  }
0x3b: {  	_ =	sdelay $0x3  }
0x3c: {  	s17 =	simm.s32 $0x1  }
0x3d: {  	_ =	swait.ge [sflag:s5], $0x4000;
	s17 =	simm.s32 @!p0 $0x0  }
0x3e: {  	[sflag:s5] =	ssyncset.done $0x0;
	s18 =	sshll.u32 s17, $0xE  }
0x3f: {  	[sflag:s5] =	ssyncadd.s32 $0xFFFFC000;
	s18 =	sor.u32 $0x40, s18  }
0x40: {  	s17 =	smul.u32 $0x10200, s17;
	v0 =	vld [tilespmem:s18+$0x30]  }
0x41: {  	v1 =	vld [tilespmem:s18+$0xFFFFFFD0]  }
0x42: {  	s17 =	sshrl.u32 s17, $0x2;
	v5 =	vld [tilespmem:s18+$0xFFFFFFE0]  }
0x43: {  	v6 =	vld [tilespmem:s18+$0xFFFFFFF0];
	s20 =	sor.u32 $0x8000, s17  }
0x44: {  	s31 =	sand.u32 $0x1, s14;
	v4 =	vld [tilespmem:s18+$0x0];
	s19 =	sadd.s32 $0x0, s20  }
0x45: {  	v3 =	vld [tilespmem:s18+$0x10];
	s17 =	smul.u32 $0x10200, s31;
	[tilespmem:s19+$0x3870 ss:$0x81] =	vst.msk $0xffff, v0  }
0x46: {  	v2 =	vld [tilespmem:s18+$0x20];
	[tilespmem:s19+$0x810 ss:$0x81] =	vst.msk $0xffff, v1  }
0x47: {  	s17 =	sshrl.u32 s17, $0x2;
	v1 =	vld [tilespmem:s18+$0xFFFFFFC0];
	[tilespmem:s19+$0x1020 ss:$0x81] =	vst.msk $0xffff, v5;
	s18 =	sadd.s32 $0x80, s18  }
0x48: {  	s21 =	simm.s32 $0x4;
	s22 =	simm.s32 $0x8;
	s17 =	sor.u32 $0x8000, s17;
	[tilespmem:s19+$0x1830 ss:$0x81] =	vst.msk $0xffff, v6;
	v0 =	vld [tilespmem:s18+$0x30]  }
.LBB1_3:
0x49: {  	p1 =	sne.s32 s22, $0x1FC;
	v5 =	vld [tilespmem:s18+$0xFFFFFFD0];
	[tilespmem:s19+$0x2040 ss:$0x81] =	vst.msk $0xffff, v4  }
0x4a: {  	v6 =	vld [tilespmem:s18+$0xFFFFFFE0];
	[tilespmem:s19+$0x2850 ss:$0x81] =	vst.msk $0xffff, v3  }
0x4b: {  	s23 =	sshra.s32 s21, $0x2;
	s21 =	smov.u32 s22;
	v7 =	vld [tilespmem:s18+$0xFFFFFFF0];
	[tilespmem:s19+$0x3060 ss:$0x81] =	vst.msk $0xffff, v2  }
.Ltmp3:
0x4c: {  	v4 =	vld [tilespmem:s18+$0x0];
	[tilespmem:s19+$0x0 ss:$0x81] =	vst.msk $0xffff, v1;
	s19 =	sadd.s32 s23, s20;
	(pc) =	sbr.rel @p1 .LBB1_3-.Ltmp3, $4  }
0x4d: {  	v3 =	vld [tilespmem:s18+$0x10];
	[tilespmem:s19+$0x3870 ss:$0x81] =	vst.msk $0xffff, v0  }
0x4e: {  	[tilespmem:s19+$0x810 ss:$0x81] =	vst.msk $0xffff, v5;
	v2 =	vld [tilespmem:s18+$0x20]  }
0x4f: {  	v1 =	vld [tilespmem:s18+$0xFFFFFFC0];
	[tilespmem:s19+$0x1020 ss:$0x81] =	vst.msk $0xffff, v6;
	s18 =	sadd.s32 $0x80, s18  }
0x50: {  	s22 =	sadd.s32 $0x4, s22;
	v0 =	vld [tilespmem:s18+$0x30];
	[tilespmem:s19+$0x1830 ss:$0x81] =	vst.msk $0xffff, v7  }
.Ltmp4:
0x51: {  	_ = 	snop;
	(pc) =	sbr.rel .LBB1_4-.Ltmp4, $1  }
0x52: {  	_ =	sdelay $0x3  }
.LBB1_6:
0x53: {  	_ =	sfence.sel $0x180000  }
0x54: {  	s2 =	simm.s32 $0x1;
	[bflag:$0x0] =	sbarrier.arrive $0xFFFF  }
0x55: {  	s31 =	simm.s32 $0x2;
	[sflag:s2] =	ssyncpa.u1 $0x1  }
0x56: {  	[sflag:s31] =	ssyncpa.u1 $0x1  }
0x57: {  	p0 =	sne.s32 s0, $0x0;
	_ =	strace $0x9000004A  }
0x58: {  	s0 =	sadd.s32 @!p0 $0x100000, s1;
	[bflag:$0x2] =	sbarrier.arrive $0xFFFF  }
0x59: {  	[sflag:s0] =	ssyncadd.tile.s32 @!p0 $0x1;
	_ =	shalt  }
.Lfunc_end1:
_tile_overlayer_lowered:
.L_overlay_start_2:
0x5a: {  	(tag) =	ssettag $0x2  }
0x5b: {  	s0 =	rddreg [dreg:$0x0];
	s2 =	stileid.u32  }
0x5c: {  	s1 =	rddreg [dreg:$0x1];
	p0 =	sne.s32 s2, $0x0  }
0x5d: {  	s3 =	rddreg [dreg:$0x2];
	[bflag:$0x3] =	sbarrier.arrive $0xFFFF;
	s2 =	simm.s32 @!p0 $0x1C01  }
0x5e: {  	[timem:s3], [sflag:s2] =	dma.local @!p0 [hbm:s0], s1  }
0x5f: {  	s0 =	simm.s32 @!p0 $0x1  }
0x60: {  	_ =	swait.ge @!p0 [sflag:s0], s1  }
0x61: {  	s1 =	ssub.s32 @!p0 $0x0, s1;
	[sflag:s0] =	ssyncset.done @!p0 $0x0  }
0x62: {  	[sflag:s0] =	ssyncadd.s32 @!p0 s1  }
0x63: {  	[bflag:$0x3] =	sbarrier.arrive $0xFFFF  }
0x64: {  	_ =	shalt  }

// kernel: sparse-core-data-format-call.3.cloned.1.call-start
scs
called_computation.3_lowered:
.L_overlay_start_0:
0x0: {  	s2 =	sld [smem:$0x3FD9]  }
0x1: {  	s3 =	sld [smem:$0x3FFE];
	_ =	sdelay $0x1  }
0x2: {  	s1 =	srdreg.scid  }
0x3: {  	s0 =	sand.u32 $0x1, s1  }
0x4: {  	s18 =	sshll.u32 s0, $0xA;
	s2 =	sadd.s32 s3, s2  }
0x5: {  	s2 =	sadd.s32 s2, s18  }
0x6: {  	[smem:$0x3FBA] =	sst s2  }
0x7: {  	_ = 	snop  }
0x8: {  	s2 =	sld [smem:$0x3FC9];
	(tm) =	ssettm $0x1  }
0x9: {  	s19 =	sld [smem:$0x3FFB];
	_ =	sdelay $0x3  }
0xa: {  	_ =	strace s19  }
0xb: {  	s3 =	sld [smem:$0x3FFC];
	_ =	sdelay $0x3  }
0xc: {  	_ =	strace s3  }
0xd: {  	s3 =	sld [smem:$0x3FFD];
	_ =	sdelay $0x3  }
0xe: {  	_ =	strace s3  }
0xf: {  	_ =	strace $0x8FFFFFFF  }
0x10: {  	s20 =	sld [smem:$0x3FDB];
	_ =	sdelay $0x1  }
0x11: {  	s4 =	simm.s32 $_scs_section_size  }
0x12: {  	s5 =	simm.s32 $_size__tile_overlayer_lowered;
	s6 =	simm.s32 $_tile_overlayer_lowered  }
0x13: {  	s23 =	simm.s32 $0x1BFF;
	s22 =	sshll.u32 s6, $0x1;
	s3 =	sadd.s32 s4, s20  }
0x14: {  	s7 =	simm.s32 $0x0;
	s21 =	sshll.u32 s5, $0x1;
	s5 =	sadd.s32 s22, s3  }
0x15: {  	[timem:s7], [sflag:s23] =	dma.local [hbm:s5], s21  }
0x16: {  	_ =	swait.ge [sflag:s23], s21  }
0x17: {  	s4 =	ssub.s32 $0x0, s21;
	[sflag:s23] =	ssyncset.done $0x0  }
0x18: {  	[sflag:s23] =	ssyncadd.s32 s4;
	_ =	sdelay $0x1  }
0x19: {  	s24 =	simm.s32 $0x1B8B  }
0x1a: {  	_ =	swait.ge [sflag:s24], $0x1  }
0x1b: {  	[sflag:s24] =	ssyncset.done $0x0  }
0x1c: {  	s26 =	simm.s32 $0x1B8E;
	s25 =	sld [smem:$0x3FFE];
	[sflag:s24] =	ssyncadd.s32 $0xFFFFFFFF  }
0x1d: {  	s27 =	simm.s32 $execute0_lowered;
	[smem:$0x3FD2] =	sst s26  }
0x1e: {  	s5 =	sshll.u32 s27, $0x1;
	_ =	strace $0x80000046;
	[dreg:$0x1] =	wrdreg $0xFFFFFFFF  }
0x1f: {  	s28 =	simm.s32 $_size_execute0_lowered;
	s3 =	sadd.s32 s3, s5;
	[dreg:$0x0] =	wrdreg $0x0  }
0x20: {  	s5 =	sshll.u32 s28, $0x1;
	[dreg:$0x2] =	wrdreg s3  }
0x21: {  	[dreg:$0x3] =	wrdreg s5  }
0x22: {  	[dreg:$0x4] =	wrdreg $0xC0  }
0x23: {  	_ =	task [dreg:s7], $0x5FFFF  }
0x24: {  	[dreg:$0x1] =	wrdreg $0xFFFFFFFF  }
0x25: {  	[dreg:$0x0] =	wrdreg $0x60  }
0x26: {  	[dreg:$0x2] =	wrdreg s2  }
0x27: {  	[dreg:$0x3] =	wrdreg s25  }
0x28: {  	[dreg:$0x4] =	wrdreg $0x9  }
0x29: {  	_ =	task.clear_ibuf [dreg:s7], $0x5FFFF;
	_ =	strace $0x90000046  }
0x2a: {  	s29 =	simm.s32 $0x9;
	_ =	strace $0x80000048  }
0x2b: {  	_ =	swait.ge [sflag:s29], $0x1  }
0x2c: {  	[sflag:s29] =	ssyncadd.s32 $0xFFFFFFFF  }
0x2d: {  	_ =	strace $0x90000048  }
0x2e: {  	_ =	sfence  }
0x2f: {  	s30 =	sld [smem:$0x0];
	_ =	sdelay $0x2  }
0x30: {  	s31 =	sshll.u32 s1, $0xD;
	s1 =	sshrl.u32 s1, $0x2  }
0x31: {  	s3 =	sand.u32 $0x4000, s31;
	s1 =	sadd.s32 s1, s30  }
0x32: {  	s0 =	sor.u32 s3, s0;
	s1 =	sshll.u32 s1, $0x11  }
0x33: {  	s0 =	sor.u32 s1, s0  }
0x34: {  	s0 =	sadd.s32 $0x8F2B, s0  }
0x35: {  	[sflag:s0] =	ssyncadd.remote.s32 $0x1  }
0x36: {  	_ =	sfence.sel $0xFFFF  }
0x37: {  	[dreg:$0x0] =	wrdreg $0xFFFFFFFF;
	(pc) =	sbr.abs _section_cstart, $3  }
0x38: {  	[dreg:$0x1] =	wrdreg $0xFFFFFFFF  }
0x39: {  	_ =	task.clear_ibuf [dreg:s7], $0x2FFFF;
	_ =	strace $0x9FFFFFFF  }
0x3a: {  	(tm) =	ssettm $0x7FFFFFFF  }
0x3b: {  	_ =	shalt  }
tec
execute0_lowered:
.L_overlay_start_1:
0x0: {  	(tag) =	ssettag $0x1  }
0x1: {  	s0 =	stileid.u32;
	s1 =	srdreg.scid  }
0x2: {  	s7 =	rddreg [dreg:$0x0];
	s2 =	sshll.u32 s0, $0x5;
	s1 =	sshll.u32 s1, $0x9  }
0x3: {  	s4 =	rddreg [dreg:$0x1];
	s1 =	sor.u32 s2, s1  }
0x4: {  	s5 =	simm.s32 $0x1;
	s8 =	simm.s32 $0x2;
	s2 =	sand.u32 $0x380, s1  }
0x5: {  	s13 =	simm.s32 $0x0;
	s9 =	simm.s32 $0x80;
	s3 =	ssub.s32 $0x400, s2  }
0x6: {  	s10 =	simm.s32 $0x3400;
	s14 =	simm.s32 $0x0;
	s31 =	sand.u32 $0x380, s3  }
0x7: {  	s12 =	simm.s32 $0x0;
	s6 =	sand.u32 $0x3, s0;
	p0 =	sne.s32 s31, $0x0  }
.Ltmp0:
0x8: {  	s3 =	sshrl.u32 s3, $0xA;
	s5 =	simm.s32 @!p0 $0x0;
	(pc) =	sbr.rel .LBB1_1-.Ltmp0, $4  }
0x9: {  	s1 =	rddreg [dreg:$0x2];
	_ =	strace $0x80000047;
	s5 =	sadd.s32 s5, s3  }
0xa: {  	s3 =	sadd.s32 $0x2E00, s4;
	s4 =	simm.s32 $0x1;
	s5 =	smul.u32 $0x19, s5  }
0xb: {  	s11 =	smov.u32 s6;
	s7 =	sadd.s32 s7, s2;
	[sflag:s4] =	ssyncpa.u1 $0x0  }
0xc: {  	p0 =	por $0x0, $0x0;
	[sflag:s8] =	ssyncpa.u1 $0x0;
	s8 =	sadd.s32 $0x1, s5  }
.LBB1_4:
0xd: {  	v5 =	vld [tilespmem:s18+$0xFFFFFFD0];
	[tilespmem:s17+$0x2040 ss:$0x81] =	vst.msk $0xffff, v1  }
0xe: {  	v58 =	vld [tilespmem:s18+$0xFFFFFFE0];
	[tilespmem:s17+$0x2850 ss:$0x81] =	vst.msk $0xffff, v2  }
0xf: {  	s19 =	sshra.s32 s19, $0x2;
	v59 =	vld [tilespmem:s18+$0xFFFFFFF0];
	[tilespmem:s17+$0x3060 ss:$0x81] =	vst.msk $0xffff, v3  }
0x10: {  	v60 =	vld [tilespmem:s18+$0x0];
	[tilespmem:s17+$0x0 ss:$0x81] =	vst.msk $0xffff, v0;
	s16 =	sadd.s32 s19, s16  }
0x11: {  	v61 =	vld [tilespmem:s18+$0x10];
	s14 =	sand.u32 $0x1FFFFFF, s14;
	[tilespmem:s16+$0x3870 ss:$0x81] =	vst.msk $0xffff, v4  }
0x12: {  	v62 =	vld [tilespmem:s18+$0x20];
	s31 =	smulhi.u32 $0x2762763, s14;
	[tilespmem:s16+$0x810 ss:$0x81] =	vst.msk $0xffff, v5  }
0x13: {  	v63 =	vld [tilespmem:s18+$0xFFFFFFC0];
	[tilespmem:s16+$0x1020 ss:$0x81] =	vst.msk $0xffff, v58  }
0x14: {  	s17 =	smul.u32 $0x68, s31;
	[tilespmem:s16+$0x1830 ss:$0x81] =	vst.msk $0xffff, v59  }
0x15: {  	s13 =	smul.u32 $0x680, s13;
	[tilespmem:s16+$0x2040 ss:$0x81] =	vst.msk $0xffff, v60  }
0x16: {  	[tilespmem:s16+$0x2850 ss:$0x81] =	vst.msk $0xffff, v61;
	s14 =	ssub.s32 s14, s17  }
0x17: {  	s13 =	sadd.s32 s3, s13;
	[tilespmem:s16+$0x3060 ss:$0x81] =	vst.msk $0xffff, v62;
	s14 =	sshll.u32 s14, $0x4  }
0x18: {  	[tilespmem:s16+$0x0 ss:$0x81] =	vst.msk $0xffff, v63;
	s13 =	sadd.s32 s14, s13  }
0x19: {  	[hbm4b:s13+s9] =	stream.strided.scatter [tilespmem:s15], [sflag:$0x2], $0x4000, s10, s9, $0x20;
	[tilespmem:$0x10100] =	vst v63  }
.LBB1_5:
0x1a: {  	s15 =	sadd.s32 $0x4, s11  }
0x1b: {  	p2 =	sgt.s32 s15, $0x63  }
0x1c: {  	s15 =	smov.u32 @p2 s6;
	p2 =	sne.s32 s12, s8  }
.Ltmp1:
0x1d: {  	p1 =	slt.u32 s12, $0x2;
	(pc) =	sbr.rel @!p2 .LBB1_6-.Ltmp1, $4  }
0x1e: {  	s13 =	simm.s32 @!p1 $0x2  }
0x1f: {  	s16 =	sadd.s32 $0x1, s12;
	s14 =	smov.u32 s11;
	_ =	swait.ge @!p1 [sflag:s13], $0x4000  }
0x20: {  	p0 =	por !p0, !p0;
	s12 =	smov.u32 s16;
	[sflag:s13] =	ssyncset.done @!p1 $0x0  }
0x21: {  	s11 =	smov.u32 s15;
	[sflag:s13] =	ssyncadd.s32 @!p1 $0xFFFFC000;
	s13 =	smov.u32 s2  }
.LBB1_1:
0x22: {  	p1 =	sge.u32 s12, s5  }
0x23: {  	p2 =	sgt.s32 @!p1 s11, $0x63  }
0x24: {  	s15 =	smov.u32 s11;
	s16 =	sshra.s32 @!p1 s11, $0x1F;
	p2 =	por !p2, p1  }
0x25: {  	s16 =	sand.u32 @!p1 s16, s11;
	s15 =	simm.s32 @p2 $0x63  }
0x26: {  	s15 =	ssub.s32 @!p1 s15, s16  }
0x27: {  	s16 =	ssub.s32 @!p1 $0x64, s15  }
0x28: {  	s31 =	sadd.s32 $0xFFFFFFFF, s12;
	s16 =	smul.u32 @!p1 $0x3400, s16  }
0x29: {  	s17 =	sxor.u32 @!p1 $0xFFFFFFFF, s12;
	s18 =	simm.s32 @!p1 $0x400;
	s15 =	sadd.s32 @!p1 $0xFFFFFF9D, s15  }
0x2a: {  	p2 =	sgt.s32 @!p1 s15, $0x0;
	s15 =	sand.u32 @!p1 $0x3FFFFC00, s16;
	s16 =	smul.u32 @!p1 $0x3400, s11  }
0x2b: {  	s19 =	simm.s32 @!p1 $0x2000;
	s17 =	sshll.u32 @!p1 s17, $0xE;
	p2 =	por !p2, p1  }
0x2c: {  	s17 =	sand.u32 @!p1 $0x4000, s17;
	s15 =	simm.s32 @!p2 $0x0;
	s16 =	sadd.s32 @!p1 s16, s7  }
0x2d: {  	[tilespmem:s17], [sflag:$0x1] =	stream.strided.gather @!p1 [hbm4b:s16+s18], s15, s19, s18, $0x38;
	[tilespmem:$0x10100] =	vst v63  }
0x2e: {  	p1 =	sge.u32 s31, s5  }
.Ltmp2:
0x2f: {  	_ = 	snop;
	(pc) =	sbr.rel @p1 .LBB1_5-.Ltmp2, $1  }
0x30: {  	_ =	sdelay $0x3  }
0x31: {  	p1 =	sgt.s32 s14, $0x63;
	s15 =	smov.u32 s14;
	s16 =	sshra.s32 s14, $0x1F  }
0x32: {  	s15 =	simm.s32 @!p1 $0x63;
	s16 =	sand.u32 s16, s14  }
0x33: {  	s15 =	ssub.s32 s15, s16  }
0x34: {  	s16 =	ssub.s32 $0x64, s15  }
0x35: {  	s16 =	smul.u32 $0x3400, s16  }
0x36: {  	s15 =	sadd.s32 $0xFFFFFF9D, s15  }
0x37: {  	p1 =	sgt.s32 s15, $0x0;
	s15 =	sand.u32 $0x3FFFFC00, s16  }
0x38: {  	s16 =	simm.s32 $0x1;
	s15 =	simm.s32 @p1 $0x0  }
0x39: {  	s16 =	simm.s32 @!p0 $0x0;
	_ =	swait.ge [sflag:s4], s15  }
0x3a: {  	s17 =	sshll.u32 s16, $0xE;
	s15 =	ssub.s32 $0x0, s15;
	[sflag:s4] =	ssyncset.done $0x0  }
0x3b: {  	s18 =	sor.u32 $0x40, s17;
	[sflag:s4] =	ssyncadd.s32 s15  }
0x3c: {  	s30 =	smul.u32 $0x10200, s16;
	v0 =	vld [tilespmem:s18+$0x30]  }
0x3d: {  	v3 =	vld [tilespmem:s18+$0xFFFFFFD0]  }
0x3e: {  	s15 =	sshrl.u32 s30, $0x2;
	v4 =	vld [tilespmem:s18+$0xFFFFFFE0]  }
0x3f: {  	s16 =	sor.u32 $0x8000, s15;
	v5 =	vld [tilespmem:s18+$0xFFFFFFF0]  }
0x40: {  	s31 =	sand.u32 $0x1, s12;
	v1 =	vld [tilespmem:s18+$0x0];
	s17 =	sadd.s32 $0x0, s16  }
0x41: {  	s15 =	smul.u32 $0x10200, s31;
	v2 =	vld [tilespmem:s18+$0x10];
	[tilespmem:s17+$0x3870 ss:$0x81] =	vst.msk $0xffff, v0  }
0x42: {  	[tilespmem:s17+$0x810 ss:$0x81] =	vst.msk $0xffff, v3;
	v3 =	vld [tilespmem:s18+$0x20]  }
0x43: {  	s15 =	sshrl.u32 s15, $0x2;
	v0 =	vld [tilespmem:s18+$0xFFFFFFC0];
	[tilespmem:s17+$0x1020 ss:$0x81] =	vst.msk $0xffff, v4;
	s18 =	sadd.s32 $0x80, s18  }
0x44: {  	s19 =	simm.s32 $0x4;
	s20 =	simm.s32 $0x8;
	s15 =	sor.u32 $0x8000, s15;
	[tilespmem:s17+$0x1830 ss:$0x81] =	vst.msk $0xffff, v5;
	v4 =	vld [tilespmem:s18+$0x30]  }
.LBB1_3:
0x45: {  	p1 =	sne.s32 s20, $0x1FC;
	v5 =	vld [tilespmem:s18+$0xFFFFFFD0];
	[tilespmem:s17+$0x2040 ss:$0x81] =	vst.msk $0xffff, v1  }
0x46: {  	v6 =	vld [tilespmem:s18+$0xFFFFFFE0];
	[tilespmem:s17+$0x2850 ss:$0x81] =	vst.msk $0xffff, v2  }
0x47: {  	s21 =	sshra.s32 s19, $0x2;
	s19 =	smov.u32 s20;
	v7 =	vld [tilespmem:s18+$0xFFFFFFF0];
	[tilespmem:s17+$0x3060 ss:$0x81] =	vst.msk $0xffff, v3  }
.Ltmp3:
0x48: {  	v1 =	vld [tilespmem:s18+$0x0];
	[tilespmem:s17+$0x0 ss:$0x81] =	vst.msk $0xffff, v0;
	s17 =	sadd.s32 s21, s16;
	(pc) =	sbr.rel @p1 .LBB1_3-.Ltmp3, $4  }
0x49: {  	v2 =	vld [tilespmem:s18+$0x10];
	[tilespmem:s17+$0x3870 ss:$0x81] =	vst.msk $0xffff, v4  }
0x4a: {  	[tilespmem:s17+$0x810 ss:$0x81] =	vst.msk $0xffff, v5;
	v3 =	vld [tilespmem:s18+$0x20]  }
0x4b: {  	v0 =	vld [tilespmem:s18+$0xFFFFFFC0];
	[tilespmem:s17+$0x1020 ss:$0x81] =	vst.msk $0xffff, v6;
	s18 =	sadd.s32 $0x80, s18  }
0x4c: {  	s20 =	sadd.s32 $0x4, s20;
	v4 =	vld [tilespmem:s18+$0x30];
	[tilespmem:s17+$0x1830 ss:$0x81] =	vst.msk $0xffff, v7  }
.Ltmp4:
0x4d: {  	_ = 	snop;
	(pc) =	sbr.rel .LBB1_4-.Ltmp4, $1  }
0x4e: {  	_ =	sdelay $0x3  }
.LBB1_6:
0x4f: {  	_ =	sfence.sel $0x180000  }
0x50: {  	s2 =	simm.s32 $0x1;
	[bflag:$0x0] =	sbarrier.arrive $0xFFFF  }
0x51: {  	s31 =	simm.s32 $0x2;
	[sflag:s2] =	ssyncpa.u1 $0x1  }
0x52: {  	[sflag:s31] =	ssyncpa.u1 $0x1  }
0x53: {  	p0 =	sne.s32 s0, $0x0;
	_ =	strace $0x90000047  }
0x54: {  	s0 =	sadd.s32 @!p0 $0x100000, s1;
	[bflag:$0x2] =	sbarrier.arrive $0xFFFF  }
0x55: {  	[sflag:s0] =	ssyncadd.tile.s32 @!p0 $0x1;
	_ =	shalt  }
.Lfunc_end1:
_tile_overlayer_lowered:
.L_overlay_start_2:
0x56: {  	(tag) =	ssettag $0x2  }
0x57: {  	s0 =	rddreg [dreg:$0x0];
	s2 =	stileid.u32  }
0x58: {  	s1 =	rddreg [dreg:$0x1];
	p0 =	sne.s32 s2, $0x0  }
0x59: {  	s3 =	rddreg [dreg:$0x2];
	[bflag:$0x3] =	sbarrier.arrive $0xFFFF;
	s2 =	simm.s32 @!p0 $0x1C01  }
0x5a: {  	[timem:s3], [sflag:s2] =	dma.local @!p0 [hbm:s0], s1  }
0x5b: {  	s0 =	simm.s32 @!p0 $0x1  }
0x5c: {  	_ =	swait.ge @!p0 [sflag:s0], s1  }
0x5d: {  	s1 =	ssub.s32 @!p0 $0x0, s1;
	[sflag:s0] =	ssyncset.done @!p0 $0x0  }
0x5e: {  	[sflag:s0] =	ssyncadd.s32 @!p0 s1  }
0x5f: {  	[bflag:$0x3] =	sbarrier.arrive $0xFFFF  }
0x60: {  	_ =	shalt  }

// kernel: sparse-core-data-format-call.cloned.1.call-start
scs
called_computation_lowered:
.L_overlay_start_0:
0x0: {  	s2 =	sld [smem:$0x3FD9]  }
0x1: {  	s3 =	sld [smem:$0x3FFE];
	_ =	sdelay $0x1  }
0x2: {  	s1 =	srdreg.scid  }
0x3: {  	s0 =	sand.u32 $0x1, s1  }
0x4: {  	s16 =	sshll.u32 s0, $0xA;
	s2 =	sadd.s32 s3, s2  }
0x5: {  	s2 =	sadd.s32 s2, s16  }
0x6: {  	[smem:$0x3FBA] =	sst s2  }
0x7: {  	_ = 	snop  }
0x8: {  	s2 =	sld [smem:$0x3FD0];
	_ =	sdelay $0x2  }
0x9: {  	s17 =	simm.s32 $0xC;
	s4 =	simm.s32 $0x10  }
0xa: {  	[smem:s4], [sflag:s17] =	dma.local [hbm:s2], $0x1  }
0xb: {  	_ =	swait.eq [sflag:s17], $0x1  }
0xc: {  	[sflag:s17] =	ssyncset.done $0x0  }
0xd: {  	[sflag:s17] =	ssyncadd.s32 $0xFFFFFFFF  }
0xe: {  	s18 =	sld [smem:$0x15];
	(tm) =	ssettm $0x1  }
0xf: {  	s19 =	sld [smem:$0x3FFB];
	_ =	sdelay $0x3  }
0x10: {  	_ =	strace s19  }
0x11: {  	s2 =	sld [smem:$0x3FFC];
	_ =	sdelay $0x3  }
0x12: {  	_ =	strace s2  }
0x13: {  	s2 =	sld [smem:$0x3FFD];
	_ =	sdelay $0x3  }
0x14: {  	_ =	strace s2  }
0x15: {  	_ =	strace $0x8FFFFFFF  }
0x16: {  	s20 =	sld [smem:$0x3FDB];
	_ =	sdelay $0x1  }
0x17: {  	s21 =	simm.s32 $_scs_section_size  }
0x18: {  	s5 =	simm.s32 $_size__tile_overlayer_lowered;
	s6 =	simm.s32 $_tile_overlayer_lowered  }
0x19: {  	s7 =	simm.s32 $0x1BFF;
	s22 =	sshll.u32 s6, $0x1;
	s4 =	sadd.s32 s21, s20  }
0x1a: {  	s23 =	simm.s32 $0x0;
	s5 =	sshll.u32 s5, $0x1;
	s6 =	sadd.s32 s22, s4  }
0x1b: {  	[timem:s23], [sflag:s7] =	dma.local [hbm:s6], s5  }
0x1c: {  	_ =	swait.ge [sflag:s7], s5  }
0x1d: {  	s5 =	ssub.s32 $0x0, s5;
	[sflag:s7] =	ssyncset.done $0x0  }
0x1e: {  	[sflag:s7] =	ssyncadd.s32 s5;
	_ =	sdelay $0x1  }
0x1f: {  	s24 =	simm.s32 $0x1B8B  }
0x20: {  	_ =	swait.ge [sflag:s24], $0x1  }
0x21: {  	[sflag:s24] =	ssyncset.done $0x0  }
0x22: {  	[sflag:s24] =	ssyncadd.s32 $0xFFFFFFFF  }
0x23: {  	s5 =	sld [smem:$0x0]  }
0x24: {  	s6 =	sand.u32 $0xFFFFFFFE, s1  }
0x25: {  	p0 =	sne.s32 s1, s6  }
0x26: {  	s6 =	sshll.u32 @p0 s6, $0xE  }
0x27: {  	s6 =	sadd.s32 @p0 $0x11B8D, s6;
	s7 =	sshll.u32 @p0 s5, $0x11  }
0x28: {  	s6 =	sor.u32 @p0 s7, s6  }
0x29: {  	[sflag:s6] =	ssyncadd.remote.s32 @p0 $0x1;
	_ =	sdelay $0x1  }
0x2a: {  	s6 =	simm.s32 @p0 $0x1B8D  }
0x2b: {  	_ =	swait.eq @p0 [sflag:s6], $0x1  }
0x2c: {  	[sflag:s6] =	ssyncadd.s32 @p0 $0xFFFFFFFF  }
0x2d: {  	s7 =	sshll.u32 @!p0 s1, $0xE  }
0x2e: {  	s7 =	sor.u32 @!p0 $0x4000, s7;
	s6 =	simm.s32 @!p0 $0x1B8D  }
0x2f: {  	s5 =	sshll.u32 @!p0 s5, $0x11;
	s7 =	sadd.s32 @!p0 $0x11B8D, s7;
	_ =	swait.eq @!p0 [sflag:s6], $0x1  }
0x30: {  	s5 =	sor.u32 @!p0 s5, s7;
	[sflag:s6] =	ssyncadd.s32 @!p0 $0xFFFFFFFF  }
0x31: {  	s26 =	simm.s32 $0x1B8E;
	s25 =	sld [smem:$0x3FFE];
	[sflag:s5] =	ssyncadd.remote.s32 @!p0 $0x1  }
0x32: {  	s27 =	simm.s32 $execute0_lowered;
	[smem:$0x3FD2] =	sst s26  }
0x33: {  	s6 =	sshll.u32 s27, $0x1;
	_ =	strace $0x8000004F;
	[dreg:$0x1] =	wrdreg $0xFFFFFFFF  }
0x34: {  	s28 =	simm.s32 $_size_execute0_lowered;
	s4 =	sadd.s32 s4, s6;
	[dreg:$0x0] =	wrdreg $0x0  }
0x35: {  	s6 =	sshll.u32 s28, $0x1;
	[dreg:$0x2] =	wrdreg s4  }
0x36: {  	[dreg:$0x3] =	wrdreg s6  }
0x37: {  	[dreg:$0x4] =	wrdreg $0xC0  }
0x38: {  	_ =	task [dreg:s23], $0x5FFFF  }
0x39: {  	[dreg:$0x1] =	wrdreg $0xFFFFFFFF  }
0x3a: {  	[dreg:$0x0] =	wrdreg $0x60  }
0x3b: {  	[dreg:$0x2] =	wrdreg s25  }
0x3c: {  	[dreg:$0x3] =	wrdreg s18  }
0x3d: {  	[dreg:$0x4] =	wrdreg $0x9  }
0x3e: {  	_ =	task.clear_ibuf [dreg:s23], $0x5FFFF;
	_ =	strace $0x9000004F  }
0x3f: {  	s29 =	simm.s32 $0x9;
	_ =	strace $0x80000051  }
0x40: {  	_ =	swait.ge [sflag:s29], $0x1  }
0x41: {  	[sflag:s29] =	ssyncadd.s32 $0xFFFFFFFF  }
0x42: {  	_ =	strace $0x90000051  }
0x43: {  	_ =	sfence  }
0x44: {  	s30 =	sld [smem:$0x0];
	_ =	sdelay $0x2  }
0x45: {  	s31 =	sshll.u32 s1, $0xD;
	s1 =	sshrl.u32 s1, $0x2  }
0x46: {  	s4 =	sand.u32 $0x4000, s31;
	s1 =	sadd.s32 s1, s30  }
0x47: {  	s0 =	sor.u32 s4, s0;
	s1 =	sshll.u32 s1, $0x11  }
0x48: {  	s0 =	sor.u32 s1, s0  }
0x49: {  	s0 =	sadd.s32 $0x8F2B, s0  }
0x4a: {  	[sflag:s0] =	ssyncadd.remote.s32 $0x1  }
0x4b: {  	_ =	sfence.sel $0xFFFF  }
0x4c: {  	[dreg:$0x0] =	wrdreg $0xFFFFFFFF;
	(pc) =	sbr.abs _section_cstart, $3  }
0x4d: {  	[dreg:$0x1] =	wrdreg $0xFFFFFFFF  }
0x4e: {  	_ =	task.clear_ibuf [dreg:s23], $0x2FFFF;
	_ =	strace $0x9FFFFFFF  }
0x4f: {  	(tm) =	ssettm $0x7FFFFFFF  }
tec
execute0_lowered:
.L_overlay_start_1:
0x0: {  	(tag) =	ssettag $0x1  }
0x1: {  	s0 =	srdreg.scid  }
0x2: {  	s1 =	sshll.u32 s0, $0x4  }
0x3: {  	s0 =	stileid.u32;
	s1 =	sand.u32 $0x10, s1  }
0x4: {  	s6 =	rddreg [dreg:$0x0];
	s1 =	sor.u32 s0, s1  }
0x5: {  	s4 =	simm.s32 $0x1;
	s7 =	simm.s32 $0x2;
	s2 =	sshll.u32 s1, $0x5  }
0x6: {  	s14 =	simm.s32 $0x0;
	s8 =	simm.s32 $0x1000;
	s1 =	ssub.s32 $0x400, s2  }
0x7: {  	s9 =	simm.s32 $0x20000;
	s10 =	simm.s32 $0x0;
	s3 =	sand.u32 $0x3E0, s1  }
0x8: {  	s15 =	simm.s32 $0x0;
	s5 =	sshrl.u32 s1, $0xA;
	p0 =	sne.s32 s3, $0x0  }
.Ltmp0:
0x9: {  	s1 =	rddreg [dreg:$0x2];
	s4 =	simm.s32 @!p0 $0x0;
	(pc) =	sbr.rel .LBB1_1-.Ltmp0, $4  }
0xa: {  	s11 =	simm.s32 $0x0;
	s3 =	rddreg [dreg:$0x1];
	s5 =	sadd.s32 s4, s5  }
0xb: {  	_ =	strace $0x80000050;
	s4 =	simm.s32 $0x1;
	s5 =	smul.u32 $0x19, s5  }
0xc: {  	s13 =	simm.s32 $0x0;
	s6 =	sadd.s32 $0x7F2E00, s6;
	[sflag:s4] =	ssyncpa.u1 $0x0  }
0xd: {  	s12 =	smov.u32 s2;
	[sflag:s7] =	ssyncpa.u1 $0x0;
	s7 =	sadd.s32 $0x1, s5  }
.LBB1_7:
0xe: {  	s16 =	sadd.s32 $0x4, s11  }
0xf: {  	s14 =	sadd.s32 $0x400, s12;
	s18 =	smov.u32 s12;
	p1 =	sgt.s32 s16, $0x63  }
0x10: {  	s18 =	smov.u32 @p1 s14  }
0x11: {  	s16 =	simm.s32 @p1 $0x0;
	p1 =	sgt.s32 s18, $0x3FF  }
0x12: {  	s18 =	smov.u32 @p1 s2;
	p1 =	sne.s32 s13, s7  }
.Ltmp1:
0x13: {  	p0 =	slt.u32 s13, $0x2;
	(pc) =	sbr.rel @!p1 .LBB1_8-.Ltmp1, $4  }
0x14: {  	s17 =	simm.s32 @!p0 $0x2  }
0x15: {  	s15 =	smov.u32 s12;
	s10 =	sadd.s32 $0x4000, s10;
	_ =	swait.ge @!p0 [sflag:s17], $0x4000  }
0x16: {  	s14 =	smov.u32 s11;
	[sflag:s17] =	ssyncset.done @!p0 $0x0;
	s11 =	smov.u32 s16  }
0x17: {  	s13 =	sadd.s32 $0x1, s13;
	[sflag:s17] =	ssyncadd.s32 @!p0 $0xFFFFC000;
	s12 =	smov.u32 s18  }
.LBB1_1:
0x18: {  	p0 =	sge.u32 s13, s5  }
0x19: {  	s16 =	sand.u32 @!p0 $0x1FFFFFF, s11  }
0x1a: {  	s17 =	smulhi.u32 @!p0 $0x2762763, s16;
	_ =	sdelay $0x1  }
0x1b: {  	s17 =	smul.u32 @!p0 $0x68, s17  }
0x1c: {  	s18 =	sxor.u32 @!p0 $0xFFFFFFFF, s13;
	s19 =	smul.u32 @!p0 $0x680, s12  }
0x1d: {  	s31 =	sadd.s32 $0xFFFFFFFF, s13;
	s18 =	sshll.u32 @!p0 s18, $0xE;
	s16 =	ssub.s32 @!p0 s16, s17  }
0x1e: {  	s17 =	sand.u32 @!p0 $0x4000, s18;
	s18 =	sadd.s32 @!p0 s6, s19;
	s16 =	sshll.u32 @!p0 s16, $0x4  }
0x1f: {  	s19 =	simm.s32 @!p0 $0x3400;
	s16 =	sadd.s32 @!p0 s16, s18;
	s18 =	simm.s32 @!p0 $0x200  }
0x20: {  	[tilespmem:s17], [sflag:$0x1] =	stream.strided.gather @!p0 [hbm4b:s16+s18], $0x4000, s19, s18, $0x38;
	[tilespmem:$0x10000] =	vst v63  }
0x21: {  	p0 =	sge.u32 s31, s5  }
.Ltmp2:
0x22: {  	_ = 	snop;
	(pc) =	sbr.rel @p0 .LBB1_7-.Ltmp2, $1  }
0x23: {  	_ =	sdelay $0x3  }
0x24: {  	s17 =	sand.u32 $0x4000, s10  }
0x25: {  	_ =	swait.ge [sflag:s4], $0x4000;
	s19 =	sshll.u32 s13, $0xE;
	s16 =	sor.u32 $0x8040, s17  }
0x26: {  	s18 =	sor.u32 $0x40, s17;
	[sflag:s4] =	ssyncset.done $0x0;
	s31 =	sand.u32 $0x4000, s19  }
0x27: {  	s19 =	simm.s32 $0x0;
	[sflag:s4] =	ssyncadd.s32 $0xFFFFC000;
	s17 =	sor.u32 $0x8000, s31  }
.LBB1_3:
0x28: {  	v0 =	vmov s18;
	_ =	sdelay $0x3  }
0x29: {  	s21 =	simm.s32 $0x0  }
0x2a: {  	v6 =	vld.idx.msk [tilespmem:v0+s21+$0x30 ss:$0x1], $0xffff  }
0x2b: {  	v7 =	vld.idx.msk [tilespmem:v0+s21+$0xFFFFFFC0 ss:$0x1], $0xffff  }
0x2c: {  	v5 =	vld.idx.msk [tilespmem:v0+s21+$0xFFFFFFD0 ss:$0x1], $0xffff  }
0x2d: {  	v4 =	vld.idx.msk [tilespmem:v0+s21+$0xFFFFFFE0 ss:$0x1], $0xffff  }
0x2e: {  	v3 =	vld.idx.msk [tilespmem:v0+s21+$0xFFFFFFF0 ss:$0x1], $0xffff  }
0x2f: {  	v1 =	vld.idx.msk [tilespmem:v0+s21+$0x0 ss:$0x1], $0xffff  }
0x30: {  	v2 =	vld.idx.msk [tilespmem:v0+s21+$0x10 ss:$0x1], $0xffff;
	[tilespmem:s16+$0x30] =	vst v6  }
0x31: {  	s20 =	simm.s32 $0x80;
	s22 =	simm.s32 $0x400;
	[tilespmem:s16+$0xFFFFFFC0] =	vst v7;
	v6 =	vld.idx.msk [tilespmem:v0+s21+$0x20 ss:$0x1], $0xffff;
	s21 =	smov.u32 s16  }
.LBB1_4:
0x32: {  	p0 =	sne.s32 s22, $0x600;
	v7 =	vld.idx.msk [tilespmem:v0+s20+$0x30 ss:$0x1], $0xffff;
	[tilespmem:s21+$0xFFFFFFD0] =	vst v5  }
0x33: {  	v8 =	vld.idx.msk [tilespmem:v0+s20+$0xFFFFFFC0 ss:$0x1], $0xffff;
	[tilespmem:s21+$0xFFFFFFE0] =	vst v4  }
0x34: {  	v5 =	vld.idx.msk [tilespmem:v0+s20+$0xFFFFFFD0 ss:$0x1], $0xffff;
	[tilespmem:s21+$0xFFFFFFF0] =	vst v3  }
.Ltmp3:
0x35: {  	v4 =	vld.idx.msk [tilespmem:v0+s20+$0xFFFFFFE0 ss:$0x1], $0xffff;
	[tilespmem:s21+$0x0] =	vst v1;
	(pc) =	sbr.rel @p0 .LBB1_4-.Ltmp3, $4  }
0x36: {  	v3 =	vld.idx.msk [tilespmem:v0+s20+$0xFFFFFFF0 ss:$0x1], $0xffff;
	[tilespmem:s21+$0x10] =	vst v2  }
0x37: {  	v1 =	vld.idx.msk [tilespmem:v0+s20+$0x0 ss:$0x1], $0xffff;
	[tilespmem:s21+$0x20] =	vst v6;
	s21 =	sadd.s32 $0x1000, s21  }
0x38: {  	v2 =	vld.idx.msk [tilespmem:v0+s20+$0x10 ss:$0x1], $0xffff;
	[tilespmem:s21+$0x30] =	vst v7  }
0x39: {  	[tilespmem:s21+$0xFFFFFFC0] =	vst v8;
	v6 =	vld.idx.msk [tilespmem:v0+s20+$0x20 ss:$0x1], $0xffff;
	s20 =	sshra.s32 s22, $0x2;
	s22 =	sadd.s32 $0x200, s22  }
0x3a: {  	_ =	sdelay $0x2  }
0x3b: {  	[tilespmem:s21+$0xFFFFFFD0] =	vst v5  }
0x3c: {  	v56 =	vld.idx.msk [tilespmem:v0+s20+$0x30 ss:$0x1], $0xffff;
	[tilespmem:s21+$0xFFFFFFE0] =	vst v4  }
0x3d: {  	v57 =	vld.idx.msk [tilespmem:v0+s20+$0xFFFFFFC0 ss:$0x1], $0xffff;
	[tilespmem:s21+$0xFFFFFFF0] =	vst v3  }
0x3e: {  	v58 =	vld.idx.msk [tilespmem:v0+s20+$0xFFFFFFD0 ss:$0x1], $0xffff;
	[tilespmem:s21+$0x0] =	vst v1  }
0x3f: {  	v59 =	vld.idx.msk [tilespmem:v0+s20+$0xFFFFFFE0 ss:$0x1], $0xffff;
	[tilespmem:s21+$0x10] =	vst v2  }
0x40: {  	v60 =	vld.idx.msk [tilespmem:v0+s20+$0xFFFFFFF0 ss:$0x1], $0xffff;
	s31 =	sadd.s32 $0x1000, s21;
	[tilespmem:s21+$0x20] =	vst v6  }
0x41: {  	v61 =	vld.idx.msk [tilespmem:v0+s20+$0x0 ss:$0x1], $0xffff;
	[tilespmem:s31+$0x30] =	vst v56  }
0x42: {  	v62 =	vld.idx.msk [tilespmem:v0+s20+$0x10 ss:$0x1], $0xffff;
	s19 =	sadd.s32 $0x1, s19;
	[tilespmem:s31+$0xFFFFFFC0] =	vst v57  }
0x43: {  	v63 =	vld.idx.msk [tilespmem:v0+s20+$0x20 ss:$0x1], $0xffff;
	p0 =	sne.s32 s19, $0x20;
	[tilespmem:s31+$0xFFFFFFD0] =	vst v58  }
.Ltmp4:
0x44: {  	[tilespmem:s31+$0xFFFFFFE0] =	vst v59;
	(pc) =	sbr.rel @p0 .LBB1_3-.Ltmp4, $4  }
0x45: {  	[tilespmem:s31+$0xFFFFFFF0] =	vst v60  }
0x46: {  	[tilespmem:s31+$0x0] =	vst v61  }
0x47: {  	[tilespmem:s31+$0x10] =	vst v62  }
0x48: {  	s16 =	sadd.s32 $0x80, s16;
	s18 =	sadd.s32 $0x200, s18;
	[tilespmem:s31+$0x20] =	vst v63  }
.Ltmp5:
0x49: {  	s15 =	sshll.u32 s15, $0x4;
	(pc) =	sbr.rel .LBB1_7-.Ltmp5, $4  }
0x4a: {  	s15 =	sand.u32 $0x3FF0, s15  }
0x4b: {  	s14 =	sshll.u32 s14, $0xE;
	s15 =	sadd.s32 s3, s15  }
0x4c: {  	s14 =	sadd.s32 s14, s15  }
0x4d: {  	[hbm4b:s14+s8] =	stream.strided.scatter [tilespmem:s17], [sflag:$0x2], $0x4000, s9, s8, $0x38;
	[tilespmem:$0x10000] =	vst v63  }
.LBB1_8:
0x4e: {  	_ =	sfence.sel $0x180000  }
0x4f: {  	s2 =	simm.s32 $0x1;
	[bflag:$0x0] =	sbarrier.arrive $0xFFFF  }
0x50: {  	s31 =	simm.s32 $0x2;
	[sflag:s2] =	ssyncpa.u1 $0x1  }
0x51: {  	[sflag:s31] =	ssyncpa.u1 $0x1  }
0x52: {  	p0 =	sne.s32 s0, $0x0;
	_ =	strace $0x90000050  }
0x53: {  	s0 =	sadd.s32 @!p0 $0x100000, s1;
	[bflag:$0x2] =	sbarrier.arrive $0xFFFF  }
0x54: {  	[sflag:s0] =	ssyncadd.tile.s32 @!p0 $0x1;
	_ =	shalt  }
.Lfunc_end1:
_tile_overlayer_lowered:
.L_overlay_start_2:
0x55: {  	(tag) =	ssettag $0x2  }
0x56: {  	s0 =	rddreg [dreg:$0x0];
	s2 =	stileid.u32  }
0x57: {  	s1 =	rddreg [dreg:$0x1];
	p0 =	sne.s32 s2, $0x0  }
0x58: {  	s3 =	rddreg [dreg:$0x2];
	[bflag:$0x3] =	sbarrier.arrive $0xFFFF;
	s2 =	simm.s32 @!p0 $0x1C01  }
0x59: {  	[timem:s3], [sflag:s2] =	dma.local @!p0 [hbm:s0], s1  }
0x5a: {  	s0 =	simm.s32 @!p0 $0x1  }
0x5b: {  	_ =	swait.ge @!p0 [sflag:s0], s1  }
0x5c: {  	s1 =	ssub.s32 @!p0 $0x0, s1;
	[sflag:s0] =	ssyncset.done @!p0 $0x0  }
0x5d: {  	[sflag:s0] =	ssyncadd.s32 @!p0 s1  }
0x5e: {  	[bflag:$0x3] =	sbarrier.arrive $0xFFFF  }
0x5f: {  	_ =	shalt  }

</sc_bundles>
